<compile_context>
chip_gen: v7x
topology: tpu7x:2x2x1
jax: 0.10.2.dev20260603
libtpu: 0.0.44.dev20260713+nightly
codegen_flags: <defaults>
</compile_context>

<pallas_src>
import functools

import jax
import jax.numpy as jnp
from jax import lax
from jax.experimental import pallas as pl
from jax.experimental.pallas import tpu as pltpu
from jax.experimental.pallas import tpu_sc as plsc

N = 10000
C = 128
OUT = 256
STRIDE = 4
NSAMPLE = 32

M = N // STRIDE
MP = 2560
NP = 10240
BM = 512
TCOL = 1024
NT = NP // TCOL
F = C + 3
FP = 144

NEG = -3.0e38
POS = 3.0e38
IBIG = 2 ** 30


def _topk_body(np_ref, pt_ref, idx_ref, cur_ref):
    a0 = np_ref[:, 0:1]
    a1 = np_ref[:, 1:2]
    a2 = np_ref[:, 2:3]
    pn = a0 * a0 + a1 * a1 + a2 * a2

    def fill(t, _):
        sl = pl.ds(t * TCOL, TCOL)
        p0 = pt_ref[0:1, sl]
        p1 = pt_ref[1:2, sl]
        p2 = pt_ref[2:3, sl]
        pp = p0 * p0 + p1 * p1 + p2 * p2
        mm = jax.lax.dot_general(
            np_ref[:, 0:3], pt_ref[0:3, sl],
            (((1,), (0,)), ((), ())))
        cur_ref[:, sl] = pn + pp - 2.0 * mm
        return 0

    lax.fori_loop(0, NT, fill, 0)

    lv = jnp.full((BM, 1), NEG, dtype=jnp.float32)
    li = jnp.full((BM, 1), -1, dtype=jnp.int32)
    for k in range(NSAMPLE):
        def scan_tile(t, carry):
            bv, bi = carry
            sl = pl.ds(t * TCOL, TCOL)
            v = cur_ref[:, sl]
            gi = (lax.broadcasted_iota(jnp.int32, (BM, TCOL), 1)
                  + t * TCOL)
            elig = (v > lv) | ((v == lv) & (gi > li))
            vm = jnp.where(elig, v, POS)
            tmin = jnp.min(vm, axis=1, keepdims=True)
            targ = jnp.min(jnp.where(vm == tmin, gi, IBIG),
                           axis=1, keepdims=True)
            take = (tmin < bv) | ((tmin == bv) & (targ < bi))
            return (jnp.where(take, tmin, bv), jnp.where(take, targ, bi))

        bv, bi = lax.fori_loop(
            0, NT, scan_tile,
            (jnp.full((BM, 1), POS, dtype=jnp.float32),
             jnp.full((BM, 1), IBIG, dtype=jnp.int32)))
        idx_ref[:, k:k + 1] = bi
        lv, li = bv, bi


def _run_topk(np_blk, pt_pad):
    return pl.pallas_call(
        _topk_body,
        grid=(MP // BM,),
        in_specs=[
            pl.BlockSpec((BM, 128), lambda i: (i, 0)),
            pl.BlockSpec((8, NP), lambda i: (0, 0)),
        ],
        out_specs=pl.BlockSpec((BM, NSAMPLE), lambda i: (i, 0)),
        out_shape=jax.ShapeDtypeStruct((MP, NSAMPLE), jnp.int32),
        scratch_shapes=[pltpu.VMEM((BM, NP), jnp.float32)],
    )(np_blk, pt_pad)


CH = 4
ROWS_W = MP // 32
NCHUNK = ROWS_W // CH


def _pool_body(xp_hbm, idx_hbm, out_hbm, idx_v, rows_v, pool_v, sem):
    cid = lax.axis_index("c")
    sid = lax.axis_index("s")
    wid = sid * 2 + cid
    base = wid * ROWS_W

    def chunk(ci, _):
        r0 = base + ci * CH
        pltpu.sync_copy(idx_hbm.at[pl.ds(r0 * NSAMPLE, CH * NSAMPLE)], idx_v)
        pltpu.async_copy(xp_hbm.at[idx_v], rows_v, sem).wait()

        def over_r(rr, _):
            def over_s(s, accs):
                row = rr * NSAMPLE + s
                return tuple(
                    jnp.maximum(accs[cc], rows_v[row, pl.ds(cc * 16, 16)])
                    for cc in range(FP // 16))

            accs0 = tuple(rows_v[rr * NSAMPLE, pl.ds(cc * 16, 16)]
                          for cc in range(FP // 16))
            accs = lax.fori_loop(1, NSAMPLE, over_s, accs0)
            prow = ci * CH + rr
            for cc in range(FP // 16):
                pool_v[prow, pl.ds(cc * 16, 16)] = accs[cc]
            return 0

        lax.fori_loop(0, CH, over_r, 0)
        return 0

    lax.fori_loop(0, NCHUNK, chunk, 0)
    pltpu.sync_copy(pool_v, out_hbm.at[pl.ds(base, ROWS_W)])


def _run_pool(xp, idx_flat):
    mesh = plsc.VectorSubcoreMesh(core_axis_name="c", subcore_axis_name="s")
    fn = functools.partial(
        pl.kernel,
        mesh=mesh,
        compiler_params=pltpu.CompilerParams(use_tc_tiling_on_sc=False),
        out_type=jax.ShapeDtypeStruct((MP, FP), jnp.float32),
        scratch_types=[
            pltpu.VMEM((CH * NSAMPLE,), jnp.int32),
            pltpu.VMEM((CH * NSAMPLE, FP), jnp.float32),
            pltpu.VMEM((ROWS_W, FP), jnp.float32),
            pltpu.SemaphoreType.DMA,
        ],
    )(_pool_body)
    return fn(xp, idx_flat)


RT = 256
NRT = MP // RT


def _dense_body(pool_ref, npad_ref, w_ref, sgb_ref, out_ref, h_ref):
    w = w_ref[:, :]
    bvec = sgb_ref[0:1, :]
    gamma = sgb_ref[1:2, :]
    beta = sgb_ref[2:3, :]

    def mm(t, _):
        sl = pl.ds(t * RT, RT)
        adj = pool_ref[sl, :] - npad_ref[sl, :]
        h_ref[sl, :] = jax.lax.dot(adj, w) + bvec
        return 0

    lax.fori_loop(0, NRT, mm, 0)

    def sum_tile(t, acc):
        sl = pl.ds(t * RT, RT)
        gi = lax.broadcasted_iota(jnp.int32, (RT, 1), 0) + t * RT
        msk = gi < M
        return acc + jnp.sum(jnp.where(msk, h_ref[sl, :], 0.0),
                             axis=0, keepdims=True)

    mean = lax.fori_loop(0, NRT, sum_tile,
                         jnp.zeros((1, OUT), jnp.float32)) / M

    def var_tile(t, acc):
        sl = pl.ds(t * RT, RT)
        gi = lax.broadcasted_iota(jnp.int32, (RT, 1), 0) + t * RT
        msk = gi < M
        d = h_ref[sl, :] - mean
        return acc + jnp.sum(jnp.where(msk, d * d, 0.0),
                             axis=0, keepdims=True)

    var = lax.fori_loop(0, NRT, var_tile,
                        jnp.zeros((1, OUT), jnp.float32)) / M
    inv = lax.rsqrt(var + 1e-5)

    def norm_tile(t, _):
        sl = pl.ds(t * RT, RT)
        d = h_ref[sl, :] - mean
        out_ref[sl, :] = jnp.maximum(d * inv * gamma + beta, 0.0)
        return 0

    lax.fori_loop(0, NRT, norm_tile, 0)


def _run_dense(pooled, npad, w_pad, sgb):
    return pl.pallas_call(
        _dense_body,
        out_shape=jax.ShapeDtypeStruct((MP, OUT), jnp.float32),
        scratch_shapes=[pltpu.VMEM((MP, OUT), jnp.float32)],
    )(pooled, npad, w_pad, sgb)


def kernel(p, x, o, W, b, gamma, beta):
    n_p = p[::STRIDE]
    n_o = o // STRIDE

    np_blk = jnp.zeros((MP, 128), jnp.float32).at[:M, :3].set(n_p)
    pt_pad = jnp.full((8, NP), 0.0, jnp.float32)
    pt_pad = pt_pad.at[:3, :N].set(p.T)
    pt_pad = pt_pad.at[:3, N:].set(1e18)
    nn_idx = _run_topk(np_blk, pt_pad)

    xp = jnp.zeros((N, FP), jnp.float32)
    xp = xp.at[:, :3].set(p).at[:, 3:3 + C].set(x)
    pooled = _run_pool(xp, nn_idx.reshape(-1))

    npad = jnp.zeros((MP, FP), jnp.float32).at[:M, :3].set(n_p)
    w_pad = jnp.zeros((FP, OUT), jnp.float32).at[:F, :].set(W)
    sgb = jnp.zeros((8, OUT), jnp.float32)
    sgb = sgb.at[0].set(b).at[1].set(gamma).at[2].set(beta)
    x_out = _run_dense(pooled, npad, w_pad, sgb)[:M]

    return (n_p, x_out, n_o)

# --- scband reference (transcript-rebuilt; emitter-appended) ---
"""Pipeline reference for scband-set-abstraction-84052509982737 (READ-ONLY COPY).

The authoritative reference and input builder live on the scoring server;
editing this copy changes nothing except your own understanding.
"""

import jax, jax.numpy as jnp
import numpy as np

N = 10000
C = 128
OUT = 256
STRIDE = 4
NSAMPLE = 32


def setup_inputs(seed: int = 0) -> dict:
    key = jax.random.key(seed)
    kp, kx, kw = jax.random.split(key, 3)
    p = jax.random.normal(kp, (N, 3), dtype=jnp.float32)
    x = jax.random.normal(kx, (N, C), dtype=jnp.float32)
    o = jnp.array([N], dtype=jnp.int32)  # single-batch offset tensor
    W = jax.random.normal(kw, (C + 3, OUT), dtype=jnp.float32) * 0.02
    b = jnp.zeros((OUT,), dtype=jnp.float32)
    gamma = jnp.ones((OUT,), dtype=jnp.float32)
    beta = jnp.zeros((OUT,), dtype=jnp.float32)
    return {"p": p, "x": x, "o": o, "W": W, "b": b, "gamma": gamma, "beta": beta}


def _knn_pool(p, x, n_p, nsample):
    # squared distances via expansion to avoid [M, N, 3] intermediate
    d2 = (jnp.sum(n_p * n_p, axis=1)[:, None]
          + jnp.sum(p * p, axis=1)[None, :]
          - 2.0 * (n_p @ p.T))  # [M, N]
    _, nn_idx = jax.lax.top_k(-d2, nsample)  # [M, nsample]
    grouped_p = p[nn_idx] - n_p[:, None, :]   # relative xyz (with_xyz=True)
    grouped_x = x[nn_idx]                      # gathered features
    feats = jnp.concatenate([grouped_p, grouped_x], axis=-1)  # [M, ns, C+3]
    return jnp.max(feats, axis=1)  # max-pool over neighborhood -> [M, C+3]


def reference(p, x, o, W, b, gamma, beta):
    # sampler: stride-based downsampling (deterministic FPS stand-in)
    idx = jnp.arange(0, N, STRIDE)
    n_p = p[idx]
    n_o = o // STRIDE
    # use_res=False: identity branch is zeros and unused in the torch forward
    pooled = _knn_pool(p, x, n_p, NSAMPLE)  # [M, C+3]
    # convs: Linear -> BatchNorm1d (training-mode batch stats) -> ReLU
    h = pooled @ W + b
    mean = jnp.mean(h, axis=0)
    var = jnp.var(h, axis=0)
    h = (h - mean) / jnp.sqrt(var + 1e-5) * gamma + beta
    x_out = jnp.maximum(h, 0.0)
    return (n_p, x_out, n_o)

if __name__ == "__main__":
    import jax
    _d = setup_inputs()
    print(jax.jit(kernel)(*tuple(_d.values())))

</pallas_src>

<mosaic_0001>
#map = affine_map<(d0, d1) -> (0, 0)>
#map1 = affine_map<(d0, d1) -> (0)>
module attributes {stable_mosaic.version = 14 : i64} {
  func.func @_pool_body(%arg0: i32, %arg1: i32, %arg2: memref<10000x144xf32, #tpu.memory_space<hbm>>, %arg3: memref<81920xi32, #tpu.memory_space<hbm>>, %arg4: memref<2560x144xf32, #tpu.memory_space<hbm>>, %arg5: memref<128xi32, #tpu.memory_space<vmem>>, %arg6: memref<128x144xf32, #tpu.memory_space<vmem>>, %arg7: memref<80x144xf32, #tpu.memory_space<vmem>>, %arg8: memref<!tpu.dma_semaphore, #tpu.memory_space<semaphore_mem>>) attributes {dimension_semantics = [#tpu.dimension_semantics<core_parallel>, #tpu.dimension_semantics<subcore_parallel>], iteration_bounds = array<i64: 2, 16>, scalar_prefetch = 0 : i64, scratch_operands = 4 : i64, tpu.core_type = #tpu.core_type<sc_vector_subcore>, window_params = [{transform_indices = #map}, {transform_indices = #map1}, {transform_indices = #map}]} {
    %mul3A = arith.constant 2 : i32
    %mul3A_0 = arith.muli %arg1, %mul3A : i32
    %add3A = arith.addi %mul3A_0, %arg0 : i32
    %mul3A_1 = arith.constant 80 : i32
    %mul3A_2 = arith.muli %add3A, %mul3A_1 : i32
    %scan3A = arith.constant 0 : i32
    %scan3A_3 = arith.constant 0 : i32
    %scan3A_4 = arith.constant 20 : i32
    %scan3A_5 = arith.addi %scan3A_3, %scan3A_4 : i32
    %scan3A_6 = arith.constant 1 : i32
    %scan3A_7 = scf.for %scan3A_9 = %scan3A_3 to %scan3A_5 step %scan3A_6 iter_args(%scan3A_10 = %scan3A) -> (i32)  : i32 {
      %mul3A_11 = arith.constant 4 : i32
      %mul3A_12 = arith.muli %scan3A_9, %mul3A_11 : i32
      %add3A_13 = arith.addi %mul3A_2, %mul3A_12 : i32
      %mul3A_14 = arith.constant 32 : i32
      %mul3A_15 = arith.muli %add3A_13, %mul3A_14 : i32
      "tpu.region"() ({
        %run_scoped3A = tpu.sem_alloc : memref<!tpu.dma_semaphore, #tpu.memory_space<semaphore_mem>>
        %dma_start3A_28 = tpu.memref_slice %arg3[%mul3A_15] : memref<81920xi32, #tpu.memory_space<hbm>> -> memref<128xi32, #tpu.memory_space<hbm>>
        %dma_start3A_29 = tpu.memref_slice %arg3[%mul3A_15] : memref<81920xi32, #tpu.memory_space<hbm>> -> memref<128xi32, #tpu.memory_space<hbm>>
        tpu.enqueue_dma source(%dma_start3A_29 : memref<128xi32, #tpu.memory_space<hbm>>) target(%arg5 : memref<128xi32, #tpu.memory_space<vmem>>) target_semaphore(%run_scoped3A : memref<!tpu.dma_semaphore, #tpu.memory_space<semaphore_mem>>)
        %dma_wait3A_30 = tpu.memref_slice %arg3[%mul3A_15] : memref<81920xi32, #tpu.memory_space<hbm>> -> memref<128xi32, #tpu.memory_space<hbm>>
        %dma_wait3A_31 = tpu.memref_slice %arg3[%mul3A_15] : memref<81920xi32, #tpu.memory_space<hbm>> -> memref<128xi32, #tpu.memory_space<hbm>>
        tpu.wait_dma2 semaphore(%run_scoped3A : memref<!tpu.dma_semaphore, #tpu.memory_space<semaphore_mem>>) src(%dma_wait3A_31 : memref<128xi32, #tpu.memory_space<hbm>>) dst(%arg5 : memref<128xi32, #tpu.memory_space<vmem>>)
        tpu.yield
      }) : () -> ()
      %dma_start3A = arith.constant 0 : i32
      %dma_start3A_16 = arith.constant 0 : i32
      %dma_start3A_17 = tpu.memref_slice %arg2[%dma_start3A, %dma_start3A_16] : memref<10000x144xf32, #tpu.memory_space<hbm>> -> memref<10000x144xf32, #tpu.memory_space<hbm>>
      tpu.enqueue_indirect_dma source(%dma_start3A_17 : memref<10000x144xf32, #tpu.memory_space<hbm>>) target(%arg6 : memref<128x144xf32, #tpu.memory_space<vmem>>) offsets(%arg5 : memref<128xi32, #tpu.memory_space<vmem>>) semaphore(%arg8 : memref<!tpu.dma_semaphore, #tpu.memory_space<semaphore_mem>>)
      %dma_wait3A = arith.constant 0 : i32
      %dma_wait3A_18 = arith.constant 0 : i32
      %dma_wait3A_19 = tpu.memref_slice %arg2[%dma_wait3A, %dma_wait3A_18] : memref<10000x144xf32, #tpu.memory_space<hbm>> -> memref<10000x144xf32, #tpu.memory_space<hbm>>
      tpu.wait_indirect_dma semaphore(%arg8 : memref<!tpu.dma_semaphore, #tpu.memory_space<semaphore_mem>>) src(%dma_wait3A_19 : memref<10000x144xf32, #tpu.memory_space<hbm>>) dst(%arg6 : memref<128x144xf32, #tpu.memory_space<vmem>>)
      %scan3A_20 = arith.constant 0 : i32
      %scan3A_21 = arith.constant 0 : i32
      %scan3A_22 = arith.constant 4 : i32
      %scan3A_23 = arith.addi %scan3A_21, %scan3A_22 : i32
      %scan3A_24 = arith.constant 1 : i32
      %scan3A_25 = scf.for %scan3A_28 = %scan3A_21 to %scan3A_23 step %scan3A_24 iter_args(%scan3A_29 = %scan3A_20) -> (i32)  : i32 {
        %mul3A_30 = arith.constant 32 : i32
        %mul3A_31 = arith.muli %scan3A_28, %mul3A_30 : i32
        %get3A = arith.index_cast %mul3A_31 : i32 to index
        %get3A_32 = arith.constant 0 : index
        %get3A_33 = tpu.vector_load %arg6[%get3A, %get3A_32] {strides = array<i32>} : memref<128x144xf32, #tpu.memory_space<vmem>>, vector<1x16xf32>,
        %get3A_34 = vector.shape_cast %get3A_33 : vector<1x16xf32> to vector<16xf32>
        %mul3A_35 = arith.constant 32 : i32
        %mul3A_36 = arith.muli %scan3A_28, %mul3A_35 : i32
        %get3A_37 = arith.index_cast %mul3A_36 : i32 to index
        %get3A_38 = arith.constant 16 : index
        %get3A_39 = tpu.vector_load %arg6[%get3A_37, %get3A_38] {strides = array<i32>} : memref<128x144xf32, #tpu.memory_space<vmem>>, vector<1x16xf32>,
        %get3A_40 = vector.shape_cast %get3A_39 : vector<1x16xf32> to vector<16xf32>
        %mul3A_41 = arith.constant 32 : i32
        %mul3A_42 = arith.muli %scan3A_28, %mul3A_41 : i32
        %get3A_43 = arith.index_cast %mul3A_42 : i32 to index
        %get3A_44 = arith.constant 32 : index
        %get3A_45 = tpu.vector_load %arg6[%get3A_43, %get3A_44] {strides = array<i32>} : memref<128x144xf32, #tpu.memory_space<vmem>>, vector<1x16xf32>,
        %get3A_46 = vector.shape_cast %get3A_45 : vector<1x16xf32> to vector<16xf32>
        %mul3A_47 = arith.constant 32 : i32
        %mul3A_48 = arith.muli %scan3A_28, %mul3A_47 : i32
        %get3A_49 = arith.index_cast %mul3A_48 : i32 to index
        %get3A_50 = arith.constant 48 : index
        %get3A_51 = tpu.vector_load %arg6[%get3A_49, %get3A_50] {strides = array<i32>} : memref<128x144xf32, #tpu.memory_space<vmem>>, vector<1x16xf32>,
        %get3A_52 = vector.shape_cast %get3A_51 : vector<1x16xf32> to vector<16xf32>
        %mul3A_53 = arith.constant 32 : i32
        %mul3A_54 = arith.muli %scan3A_28, %mul3A_53 : i32
        %get3A_55 = arith.index_cast %mul3A_54 : i32 to index
        %get3A_56 = arith.constant 64 : index
        %get3A_57 = tpu.vector_load %arg6[%get3A_55, %get3A_56] {strides = array<i32>} : memref<128x144xf32, #tpu.memory_space<vmem>>, vector<1x16xf32>,
        %get3A_58 = vector.shape_cast %get3A_57 : vector<1x16xf32> to vector<16xf32>
        %mul3A_59 = arith.constant 32 : i32
        %mul3A_60 = arith.muli %scan3A_28, %mul3A_59 : i32
        %get3A_61 = arith.index_cast %mul3A_60 : i32 to index
        %get3A_62 = arith.constant 80 : index
        %get3A_63 = tpu.vector_load %arg6[%get3A_61, %get3A_62] {strides = array<i32>} : memref<128x144xf32, #tpu.memory_space<vmem>>, vector<1x16xf32>,
        %get3A_64 = vector.shape_cast %get3A_63 : vector<1x16xf32> to vector<16xf32>
        %mul3A_65 = arith.constant 32 : i32
        %mul3A_66 = arith.muli %scan3A_28, %mul3A_65 : i32
        %get3A_67 = arith.index_cast %mul3A_66 : i32 to index
        %get3A_68 = arith.constant 96 : index
        %get3A_69 = tpu.vector_load %arg6[%get3A_67, %get3A_68] {strides = array<i32>} : memref<128x144xf32, #tpu.memory_space<vmem>>, vector<1x16xf32>,
        %get3A_70 = vector.shape_cast %get3A_69 : vector<1x16xf32> to vector<16xf32>
        %mul3A_71 = arith.constant 32 : i32
        %mul3A_72 = arith.muli %scan3A_28, %mul3A_71 : i32
        %get3A_73 = arith.index_cast %mul3A_72 : i32 to index
        %get3A_74 = arith.constant 112 : index
        %get3A_75 = tpu.vector_load %arg6[%get3A_73, %get3A_74] {strides = array<i32>} : memref<128x144xf32, #tpu.memory_space<vmem>>, vector<1x16xf32>,
        %get3A_76 = vector.shape_cast %get3A_75 : vector<1x16xf32> to vector<16xf32>
        %mul3A_77 = arith.constant 32 : i32
        %mul3A_78 = arith.muli %scan3A_28, %mul3A_77 : i32
        %get3A_79 = arith.index_cast %mul3A_78 : i32 to index
        %get3A_80 = arith.constant 128 : index
        %get3A_81 = tpu.vector_load %arg6[%get3A_79, %get3A_80] {strides = array<i32>} : memref<128x144xf32, #tpu.memory_space<vmem>>, vector<1x16xf32>,
        %get3A_82 = vector.shape_cast %get3A_81 : vector<1x16xf32> to vector<16xf32>
        %scan3A_83 = arith.constant 1 : i32
        %scan3A_84 = arith.constant 31 : i32
        %scan3A_85 = arith.addi %scan3A_83, %scan3A_84 : i32
        %scan3A_86 = arith.constant 1 : i32
        %scan3A_87:9 = scf.for %scan3A_137 = %scan3A_83 to %scan3A_85 step %scan3A_86 iter_args(%scan3A_138 = %get3A_34, %scan3A_139 = %get3A_40, %scan3A_140 = %get3A_46, %scan3A_141 = %get3A_52, %scan3A_142 = %get3A_58, %scan3A_143 = %get3A_64, %scan3A_144 = %get3A_70, %scan3A_145 = %get3A_76, %scan3A_146 = %get3A_82) -> (vector<16xf32>, vector<16xf32>, vector<16xf32>, vector<16xf32>, vector<16xf32>, vector<16xf32>, vector<16xf32>, vector<16xf32>, vector<16xf32>)  : i32 {
          %mul3A_147 = arith.constant 32 : i32
          %mul3A_148 = arith.muli %scan3A_28, %mul3A_147 : i32
          %add3A_149 = arith.addi %mul3A_148, %scan3A_137 : i32
          %get3A_150 = arith.index_cast %add3A_149 : i32 to index
          %get3A_151 = arith.constant 0 : index
          %get3A_152 = tpu.vector_load %arg6[%get3A_150, %get3A_151] {strides = array<i32>} : memref<128x144xf32, #tpu.memory_space<vmem>>, vector<1x16xf32>,
          %get3A_153 = vector.shape_cast %get3A_152 : vector<1x16xf32> to vector<16xf32>
          %max3A = arith.maximumf %scan3A_138, %get3A_153 : vector<16xf32>
          %get3A_154 = arith.index_cast %add3A_149 : i32 to index
          %get3A_155 = arith.constant 16 : index
          %get3A_156 = tpu.vector_load %arg6[%get3A_154, %get3A_155] {strides = array<i32>} : memref<128x144xf32, #tpu.memory_space<vmem>>, vector<1x16xf32>,
          %get3A_157 = vector.shape_cast %get3A_156 : vector<1x16xf32> to vector<16xf32>
          %max3A_158 = arith.maximumf %scan3A_139, %get3A_157 : vector<16xf32>
          %get3A_159 = arith.index_cast %add3A_149 : i32 to index
          %get3A_160 = arith.constant 32 : index
          %get3A_161 = tpu.vector_load %arg6[%get3A_159, %get3A_160] {strides = array<i32>} : memref<128x144xf32, #tpu.memory_space<vmem>>, vector<1x16xf32>,
          %get3A_162 = vector.shape_cast %get3A_161 : vector<1x16xf32> to vector<16xf32>
          %max3A_163 = arith.maximumf %scan3A_140, %get3A_162 : vector<16xf32>
          %get3A_164 = arith.index_cast %add3A_149 : i32 to index
          %get3A_165 = arith.constant 48 : index
          %get3A_166 = tpu.vector_load %arg6[%get3A_164, %get3A_165] {strides = array<i32>} : memref<128x144xf32, #tpu.memory_space<vmem>>, vector<1x16xf32>,
          %get3A_167 = vector.shape_cast %get3A_166 : vector<1x16xf32> to vector<16xf32>
          %max3A_168 = arith.maximumf %scan3A_141, %get3A_167 : vector<16xf32>
          %get3A_169 = arith.index_cast %add3A_149 : i32 to index
          %get3A_170 = arith.constant 64 : index
          %get3A_171 = tpu.vector_load %arg6[%get3A_169, %get3A_170] {strides = array<i32>} : memref<128x144xf32, #tpu.memory_space<vmem>>, vector<1x16xf32>,
          %get3A_172 = vector.shape_cast %get3A_171 : vector<1x16xf32> to vector<16xf32>
          %max3A_173 = arith.maximumf %scan3A_142, %get3A_172 : vector<16xf32>
          %get3A_174 = arith.index_cast %add3A_149 : i32 to index
          %get3A_175 = arith.constant 80 : index
          %get3A_176 = tpu.vector_load %arg6[%get3A_174, %get3A_175] {strides = array<i32>} : memref<128x144xf32, #tpu.memory_space<vmem>>, vector<1x16xf32>,
          %get3A_177 = vector.shape_cast %get3A_176 : vector<1x16xf32> to vector<16xf32>
          %max3A_178 = arith.maximumf %scan3A_143, %get3A_177 : vector<16xf32>
          %get3A_179 = arith.index_cast %add3A_149 : i32 to index
          %get3A_180 = arith.constant 96 : index
          %get3A_181 = tpu.vector_load %arg6[%get3A_179, %get3A_180] {strides = array<i32>} : memref<128x144xf32, #tpu.memory_space<vmem>>, vector<1x16xf32>,
          %get3A_182 = vector.shape_cast %get3A_181 : vector<1x16xf32> to vector<16xf32>
          %max3A_183 = arith.maximumf %scan3A_144, %get3A_182 : vector<16xf32>
          %get3A_184 = arith.index_cast %add3A_149 : i32 to index
          %get3A_185 = arith.constant 112 : index
          %get3A_186 = tpu.vector_load %arg6[%get3A_184, %get3A_185] {strides = array<i32>} : memref<128x144xf32, #tpu.memory_space<vmem>>, vector<1x16xf32>,
          %get3A_187 = vector.shape_cast %get3A_186 : vector<1x16xf32> to vector<16xf32>
          %max3A_188 = arith.maximumf %scan3A_145, %get3A_187 : vector<16xf32>
          %get3A_189 = arith.index_cast %add3A_149 : i32 to index
          %get3A_190 = arith.constant 128 : index
          %get3A_191 = tpu.vector_load %arg6[%get3A_189, %get3A_190] {strides = array<i32>} : memref<128x144xf32, #tpu.memory_space<vmem>>, vector<1x16xf32>,
          %get3A_192 = vector.shape_cast %get3A_191 : vector<1x16xf32> to vector<16xf32>
          %max3A_193 = arith.maximumf %scan3A_146, %get3A_192 : vector<16xf32>
          scf.yield %max3A, %max3A_158, %max3A_163, %max3A_168, %max3A_173, %max3A_178, %max3A_183, %max3A_188, %max3A_193 : vector<16xf32>, vector<16xf32>, vector<16xf32>, vector<16xf32>, vector<16xf32>, vector<16xf32>, vector<16xf32>, vector<16xf32>, vector<16xf32>
        }
        %scan3A_88 = arith.constant 31 : i32
        %mul3A_89 = arith.constant 4 : i32
        %mul3A_90 = arith.muli %scan3A_9, %mul3A_89 : i32
        %add3A_91 = arith.addi %mul3A_90, %scan3A_28 : i32
        %swap3A = arith.index_cast %add3A_91 : i32 to index
        %swap3A_92 = arith.constant 0 : index
        %swap3A_93 = tpu.vector_load %arg7[%swap3A, %swap3A_92] {strides = array<i32>} : memref<80x144xf32, #tpu.memory_space<vmem>>, vector<1x16xf32>,
        %swap3A_94 = vector.shape_cast %swap3A_93 : vector<1x16xf32> to vector<16xf32>
        %swap3A_95 = vector.shape_cast %scan3A_87#0 : vector<16xf32> to vector<1x16xf32>
        tpu.vector_store %arg7[%swap3A, %swap3A_92], %swap3A_95 {strides = array<i32>} : memref<80x144xf32, #tpu.memory_space<vmem>>, vector<1x16xf32>,
        %swap3A_96 = arith.index_cast %add3A_91 : i32 to index
        %swap3A_97 = arith.constant 16 : index
        %swap3A_98 = tpu.vector_load %arg7[%swap3A_96, %swap3A_97] {strides = array<i32>} : memref<80x144xf32, #tpu.memory_space<vmem>>, vector<1x16xf32>,
        %swap3A_99 = vector.shape_cast %swap3A_98 : vector<1x16xf32> to vector<16xf32>
        %swap3A_100 = vector.shape_cast %scan3A_87#1 : vector<16xf32> to vector<1x16xf32>
        tpu.vector_store %arg7[%swap3A_96, %swap3A_97], %swap3A_100 {strides = array<i32>} : memref<80x144xf32, #tpu.memory_space<vmem>>, vector<1x16xf32>,
        %swap3A_101 = arith.index_cast %add3A_91 : i32 to index
        %swap3A_102 = arith.constant 32 : index
        %swap3A_103 = tpu.vector_load %arg7[%swap3A_101, %swap3A_102] {strides = array<i32>} : memref<80x144xf32, #tpu.memory_space<vmem>>, vector<1x16xf32>,
        %swap3A_104 = vector.shape_cast %swap3A_103 : vector<1x16xf32> to vector<16xf32>
        %swap3A_105 = vector.shape_cast %scan3A_87#2 : vector<16xf32> to vector<1x16xf32>
        tpu.vector_store %arg7[%swap3A_101, %swap3A_102], %swap3A_105 {strides = array<i32>} : memref<80x144xf32, #tpu.memory_space<vmem>>, vector<1x16xf32>,
        %swap3A_106 = arith.index_cast %add3A_91 : i32 to index
        %swap3A_107 = arith.constant 48 : index
        %swap3A_108 = tpu.vector_load %arg7[%swap3A_106, %swap3A_107] {strides = array<i32>} : memref<80x144xf32, #tpu.memory_space<vmem>>, vector<1x16xf32>,
        %swap3A_109 = vector.shape_cast %swap3A_108 : vector<1x16xf32> to vector<16xf32>
        %swap3A_110 = vector.shape_cast %scan3A_87#3 : vector<16xf32> to vector<1x16xf32>
        tpu.vector_store %arg7[%swap3A_106, %swap3A_107], %swap3A_110 {strides = array<i32>} : memref<80x144xf32, #tpu.memory_space<vmem>>, vector<1x16xf32>,
        %swap3A_111 = arith.index_cast %add3A_91 : i32 to index
        %swap3A_112 = arith.constant 64 : index
        %swap3A_113 = tpu.vector_load %arg7[%swap3A_111, %swap3A_112] {strides = array<i32>} : memref<80x144xf32, #tpu.memory_space<vmem>>, vector<1x16xf32>,
        %swap3A_114 = vector.shape_cast %swap3A_113 : vector<1x16xf32> to vector<16xf32>
        %swap3A_115 = vector.shape_cast %scan3A_87#4 : vector<16xf32> to vector<1x16xf32>
        tpu.vector_store %arg7[%swap3A_111, %swap3A_112], %swap3A_115 {strides = array<i32>} : memref<80x144xf32, #tpu.memory_space<vmem>>, vector<1x16xf32>,
        %swap3A_116 = arith.index_cast %add3A_91 : i32 to index
        %swap3A_117 = arith.constant 80 : index
        %swap3A_118 = tpu.vector_load %arg7[%swap3A_116, %swap3A_117] {strides = array<i32>} : memref<80x144xf32, #tpu.memory_space<vmem>>, vector<1x16xf32>,
        %swap3A_119 = vector.shape_cast %swap3A_118 : vector<1x16xf32> to vector<16xf32>
        %swap3A_120 = vector.shape_cast %scan3A_87#5 : vector<16xf32> to vector<1x16xf32>
        tpu.vector_store %arg7[%swap3A_116, %swap3A_117], %swap3A_120 {strides = array<i32>} : memref<80x144xf32, #tpu.memory_space<vmem>>, vector<1x16xf32>,
        %swap3A_121 = arith.index_cast %add3A_91 : i32 to index
        %swap3A_122 = arith.constant 96 : index
        %swap3A_123 = tpu.vector_load %arg7[%swap3A_121, %swap3A_122] {strides = array<i32>} : memref<80x144xf32, #tpu.memory_space<vmem>>, vector<1x16xf32>,
        %swap3A_124 = vector.shape_cast %swap3A_123 : vector<1x16xf32> to vector<16xf32>
        %swap3A_125 = vector.shape_cast %scan3A_87#6 : vector<16xf32> to vector<1x16xf32>
        tpu.vector_store %arg7[%swap3A_121, %swap3A_122], %swap3A_125 {strides = array<i32>} : memref<80x144xf32, #tpu.memory_space<vmem>>, vector<1x16xf32>,
        %swap3A_126 = arith.index_cast %add3A_91 : i32 to index
        %swap3A_127 = arith.constant 112 : index
        %swap3A_128 = tpu.vector_load %arg7[%swap3A_126, %swap3A_127] {strides = array<i32>} : memref<80x144xf32, #tpu.memory_space<vmem>>, vector<1x16xf32>,
        %swap3A_129 = vector.shape_cast %swap3A_128 : vector<1x16xf32> to vector<16xf32>
        %swap3A_130 = vector.shape_cast %scan3A_87#7 : vector<16xf32> to vector<1x16xf32>
        tpu.vector_store %arg7[%swap3A_126, %swap3A_127], %swap3A_130 {strides = array<i32>} : memref<80x144xf32, #tpu.memory_space<vmem>>, vector<1x16xf32>,
        %swap3A_131 = arith.index_cast %add3A_91 : i32 to index
        %swap3A_132 = arith.constant 128 : index
        %swap3A_133 = tpu.vector_load %arg7[%swap3A_131, %swap3A_132] {strides = array<i32>} : memref<80x144xf32, #tpu.memory_space<vmem>>, vector<1x16xf32>,
        %swap3A_134 = vector.shape_cast %swap3A_133 : vector<1x16xf32> to vector<16xf32>
        %swap3A_135 = vector.shape_cast %scan3A_87#8 : vector<16xf32> to vector<1x16xf32>
        tpu.vector_store %arg7[%swap3A_131, %swap3A_132], %swap3A_135 {strides = array<i32>} : memref<80x144xf32, #tpu.memory_space<vmem>>, vector<1x16xf32>,
        %scan3A_136 = arith.constant 0 : i32
        scf.yield %scan3A_136 : i32
      }
      %scan3A_26 = arith.constant 4 : i32
      %scan3A_27 = arith.constant 0 : i32
      scf.yield %scan3A_27 : i32
    }
    %scan3A_8 = arith.constant 20 : i32
    "tpu.region"() ({
      %run_scoped3A = tpu.sem_alloc : memref<!tpu.dma_semaphore, #tpu.memory_space<semaphore_mem>>
      %dma_start3A = arith.constant 0 : i32
      %dma_start3A_9 = tpu.memref_slice %arg4[%mul3A_2, %dma_start3A] : memref<2560x144xf32, #tpu.memory_space<hbm>> -> memref<80x144xf32, #tpu.memory_space<hbm>>
      %dma_start3A_10 = arith.constant 0 : i32
      %dma_start3A_11 = tpu.memref_slice %arg4[%mul3A_2, %dma_start3A_10] : memref<2560x144xf32, #tpu.memory_space<hbm>> -> memref<80x144xf32, #tpu.memory_space<hbm>>
      tpu.enqueue_dma source(%arg7 : memref<80x144xf32, #tpu.memory_space<vmem>>) target(%dma_start3A_11 : memref<80x144xf32, #tpu.memory_space<hbm>>) target_semaphore(%run_scoped3A : memref<!tpu.dma_semaphore, #tpu.memory_space<semaphore_mem>>)
      %dma_wait3A = arith.constant 0 : i32
      %dma_wait3A_12 = tpu.memref_slice %arg4[%mul3A_2, %dma_wait3A] : memref<2560x144xf32, #tpu.memory_space<hbm>> -> memref<80x144xf32, #tpu.memory_space<hbm>>
      %dma_wait3A_13 = arith.constant 0 : i32
      %dma_wait3A_14 = tpu.memref_slice %arg4[%mul3A_2, %dma_wait3A_13] : memref<2560x144xf32, #tpu.memory_space<hbm>> -> memref<80x144xf32, #tpu.memory_space<hbm>>
      tpu.wait_dma2 semaphore(%run_scoped3A : memref<!tpu.dma_semaphore, #tpu.memory_space<semaphore_mem>>) src(%arg7 : memref<80x144xf32, #tpu.memory_space<vmem>>) dst(%dma_wait3A_14 : memref<80x144xf32, #tpu.memory_space<hbm>>)
      tpu.yield
    }) : () -> ()
    return
  }
}

module attributes {stable_mosaic.version = 14 : i64} {
  func.func @_topk_body(%arg0: i32, %arg1: memref<512x128xf32, #tpu.memory_space<vmem>>, %arg2: memref<8x10240xf32, #tpu.memory_space<vmem>>, %arg3: memref<512x32xi32, #tpu.memory_space<vmem>>, %arg4: memref<512x10240xf32, #tpu.memory_space<vmem>>) attributes {dimension_semantics = [#tpu.dimension_semantics<arbitrary>], iteration_bounds = array<i64: 5>, scalar_prefetch = 0 : i64, scratch_operands = 1 : i64, tpu.core_type = #tpu.core_type<tc>, window_params = [{transform_indices = @transform_0, window_bounds = array<i64: 512, 128>}, {pipeline_mode = #tpu.pipeline_mode<synchronous>, transform_indices = @transform_1, window_bounds = array<i64: 8, 10240>}, {transform_indices = @transform_2, window_bounds = array<i64: 512, 32>}]} {
    %get3A = arith.constant 0 : index
    %get3A_0 = arith.constant 0 : index
    %get3A_1 = vector.load %arg1[%get3A, %get3A_0] : memref<512x128xf32, #tpu.memory_space<vmem>>, vector<512x1xf32>
    %get3A_2 = arith.constant 0 : index
    %get3A_3 = arith.constant 1 : index
    %get3A_4 = vector.load %arg1[%get3A_2, %get3A_3] : memref<512x128xf32, #tpu.memory_space<vmem>>, vector<512x1xf32>
    %get3A_5 = arith.constant 0 : index
    %get3A_6 = arith.constant 2 : index
    %get3A_7 = vector.load %arg1[%get3A_5, %get3A_6] : memref<512x128xf32, #tpu.memory_space<vmem>>, vector<512x1xf32>
    %mul3A = arith.mulf %get3A_1, %get3A_1 : vector<512x1xf32>
    %mul3A_8 = arith.mulf %get3A_4, %get3A_4 : vector<512x1xf32>
    %add3A = arith.addf %mul3A, %mul3A_8 : vector<512x1xf32>
    %mul3A_9 = arith.mulf %get3A_7, %get3A_7 : vector<512x1xf32>
    %add3A_10 = arith.addf %add3A, %mul3A_9 : vector<512x1xf32>
    %scan3A = arith.constant 0 : i32
    %scan3A_11 = arith.constant 10 : i32
    %scan3A_12 = arith.addi %scan3A, %scan3A_11 : i32
    %scan3A_13 = arith.constant 1 : i32
    scf.for %scan3A_433 = %scan3A to %scan3A_12 step %scan3A_13  : i32 {
      %mul3A_434 = arith.constant 1024 : i32
      %mul3A_435 = arith.muli %scan3A_433, %mul3A_434 : i32
      %get3A_436 = arith.constant 0 : index
      %get3A_437 = arith.index_cast %mul3A_435 : i32 to index
      %get3A_438 = vector.load %arg2[%get3A_436, %get3A_437] : memref<8x10240xf32, #tpu.memory_space<vmem>>, vector<1x1024xf32>
      %get3A_439 = arith.constant 1 : index
      %get3A_440 = arith.index_cast %mul3A_435 : i32 to index
      %get3A_441 = vector.load %arg2[%get3A_439, %get3A_440] : memref<8x10240xf32, #tpu.memory_space<vmem>>, vector<1x1024xf32>
      %get3A_442 = arith.constant 2 : index
      %get3A_443 = arith.index_cast %mul3A_435 : i32 to index
      %get3A_444 = vector.load %arg2[%get3A_442, %get3A_443] : memref<8x10240xf32, #tpu.memory_space<vmem>>, vector<1x1024xf32>
      %mul3A_445 = arith.mulf %get3A_438, %get3A_438 : vector<1x1024xf32>
      %mul3A_446 = arith.mulf %get3A_441, %get3A_441 : vector<1x1024xf32>
      %add3A_447 = arith.addf %mul3A_445, %mul3A_446 : vector<1x1024xf32>
      %mul3A_448 = arith.mulf %get3A_444, %get3A_444 : vector<1x1024xf32>
      %add3A_449 = arith.addf %add3A_447, %mul3A_448 : vector<1x1024xf32>
      %get3A_450 = arith.constant 0 : index
      %get3A_451 = arith.constant 0 : index
      %get3A_452 = vector.load %arg1[%get3A_450, %get3A_451] : memref<512x128xf32, #tpu.memory_space<vmem>>, vector<512x3xf32>
      %get3A_453 = arith.constant 0 : index
      %get3A_454 = arith.index_cast %mul3A_435 : i32 to index
      %get3A_455 = vector.load %arg2[%get3A_453, %get3A_454] : memref<8x10240xf32, #tpu.memory_space<vmem>>, vector<3x1024xf32>
      %dot_general3A = arith.constant dense<0.000000e+00> : vector<512x1024xf32>
      %dot_general3A_456 = tpu.matmul %get3A_452, %get3A_455, %dot_general3A {dimension_numbers = #tpu.dot_dimension_numbers<[1], [0], [0], [1], [0, 0, 1, 1], [], []>, transpose_lhs_hint = false} : vector<512x3xf32>, vector<3x1024xf32>, vector<512x1024xf32> -> vector<512x1024xf32>
      %add3A_457 = vector.broadcast %add3A_10 : vector<512x1xf32> to vector<512x1024xf32>
      %add3A_458 = vector.broadcast %add3A_449 : vector<1x1024xf32> to vector<512x1024xf32>
      %add3A_459 = arith.addf %add3A_457, %add3A_458 : vector<512x1024xf32>
      %mul3A_460 = arith.constant 2.000000e+00 : f32
      %mul3A_461 = vector.broadcast %mul3A_460 : f32 to vector<512x1024xf32>
      %mul3A_462 = arith.mulf %mul3A_461, %dot_general3A_456 : vector<512x1024xf32>
      %sub3A = arith.subf %add3A_459, %mul3A_462 : vector<512x1024xf32>
      %swap3A_463 = arith.constant 0 : index
      %swap3A_464 = arith.index_cast %mul3A_435 : i32 to index
      %swap3A_465 = vector.load %arg4[%swap3A_463, %swap3A_464] : memref<512x10240xf32, #tpu.memory_space<vmem>>, vector<512x1024xf32>
      tpu.vector_store %arg4[%swap3A_463, %swap3A_464], %sub3A {strides = array<i32>} : memref<512x10240xf32, #tpu.memory_space<vmem>>, vector<512x1024xf32>,
    }
    %scan3A_14 = arith.constant 10 : i32
    %broadcast_in_dim3A = arith.constant -3.000000e+38 : f32
    %broadcast_in_dim3A_15 = vector.broadcast %broadcast_in_dim3A : f32 to vector<512x1xf32>
    %broadcast_in_dim3A_16 = arith.constant -1 : i32
    %broadcast_in_dim3A_17 = vector.broadcast %broadcast_in_dim3A_16 : i32 to vector<512x1xi32>
    %broadcast_in_dim3A_18 = arith.constant 3.000000e+38 : f32
    %broadcast_in_dim3A_19 = vector.broadcast %broadcast_in_dim3A_18 : f32 to vector<512x1xf32>
    %broadcast_in_dim3A_20 = arith.constant 1073741824 : i32
    %broadcast_in_dim3A_21 = vector.broadcast %broadcast_in_dim3A_20 : i32 to vector<512x1xi32>
    %scan3A_22 = arith.constant 0 : i32
    %scan3A_23 = arith.constant 10 : i32
    %scan3A_24 = arith.addi %scan3A_22, %scan3A_23 : i32
    %scan3A_25 = arith.constant 1 : i32
    %scan3A_26:2 = scf.for %scan3A_433 = %scan3A_22 to %scan3A_24 step %scan3A_25 iter_args(%scan3A_434 = %broadcast_in_dim3A_19, %scan3A_435 = %broadcast_in_dim3A_21) -> (vector<512x1xf32>, vector<512x1xi32>)  : i32 {
      %mul3A_436 = arith.constant 1024 : i32
      %mul3A_437 = arith.muli %scan3A_433, %mul3A_436 : i32
      %get3A_438 = arith.constant 0 : index
      %get3A_439 = arith.index_cast %mul3A_437 : i32 to index
      %get3A_440 = vector.load %arg4[%get3A_438, %get3A_439] : memref<512x10240xf32, #tpu.memory_space<vmem>>, vector<512x1024xf32>
      %iota3A = tpu.iota {dimensions = array<i32: 1>} : vector<512x1024xi32>
      %mul3A_441 = arith.constant 1024 : i32
      %mul3A_442 = arith.muli %scan3A_433, %mul3A_441 : i32
      %add3A_443 = vector.broadcast %mul3A_442 : i32 to vector<512x1024xi32>
      %add3A_444 = arith.addi %iota3A, %add3A_443 : vector<512x1024xi32>
      %gt3A = vector.broadcast %broadcast_in_dim3A_15 : vector<512x1xf32> to vector<512x1024xf32>
      %gt3A_445 = arith.cmpf ogt, %get3A_440, %gt3A : vector<512x1024xf32>
      %eq3A = vector.broadcast %broadcast_in_dim3A_15 : vector<512x1xf32> to vector<512x1024xf32>
      %eq3A_446 = arith.cmpf oeq, %get3A_440, %eq3A : vector<512x1024xf32>
      %gt3A_447 = vector.broadcast %broadcast_in_dim3A_17 : vector<512x1xi32> to vector<512x1024xi32>
      %gt3A_448 = arith.cmpi sgt, %add3A_444, %gt3A_447 : vector<512x1024xi32>
      %and3A = arith.andi %eq3A_446, %gt3A_448 : vector<512x1024xi1>
      %or3A = arith.ori %gt3A_445, %and3A : vector<512x1024xi1>
      %jit3A = arith.constant 3.000000e+38 : f32
      %broadcast_in_dim3A_449 = vector.broadcast %jit3A : f32 to vector<512x1024xf32>
      %select_n3A = arith.select %or3A, %get3A_440, %broadcast_in_dim3A_449 : vector<512x1024xi1>, vector<512x1024xf32>
      %reduce_min3A = arith.constant dense<0x7F800000> : vector<512xf32>
      %reduce_min3A_450 = vector.multi_reduction <minimumf>, %select_n3A, %reduce_min3A [1] : vector<512x1024xf32> to vector<512xf32>
      %broadcast_in_dim3A_451 = vector.shape_cast %reduce_min3A_450 : vector<512xf32> to vector<512x1xf32>
      %eq3A_452 = vector.broadcast %broadcast_in_dim3A_451 : vector<512x1xf32> to vector<512x1024xf32>
      %eq3A_453 = arith.cmpf oeq, %select_n3A, %eq3A_452 : vector<512x1024xf32>
      %jit3A_454 = arith.constant 1073741824 : i32
      %broadcast_in_dim3A_455 = vector.broadcast %jit3A_454 : i32 to vector<512x1024xi32>
      %select_n3A_456 = arith.select %eq3A_453, %add3A_444, %broadcast_in_dim3A_455 : vector<512x1024xi1>, vector<512x1024xi32>
      %reduce_min3A_457 = arith.constant dense<2147483647> : vector<512xi32>
      %reduce_min3A_458 = vector.multi_reduction <minsi>, %select_n3A_456, %reduce_min3A_457 [1] : vector<512x1024xi32> to vector<512xi32>
      %broadcast_in_dim3A_459 = vector.shape_cast %reduce_min3A_458 : vector<512xi32> to vector<512x1xi32>
      %lt3A = arith.cmpf olt, %broadcast_in_dim3A_451, %scan3A_434 : vector<512x1xf32>
      %eq3A_460 = arith.cmpf oeq, %broadcast_in_dim3A_451, %scan3A_434 : vector<512x1xf32>
      %lt3A_461 = arith.cmpi slt, %broadcast_in_dim3A_459, %scan3A_435 : vector<512x1xi32>
      %and3A_462 = arith.andi %eq3A_460, %lt3A_461 : vector<512x1xi1>
      %or3A_463 = arith.ori %lt3A, %and3A_462 : vector<512x1xi1>
      %select_n3A_464 = arith.select %or3A_463, %broadcast_in_dim3A_451, %scan3A_434 : vector<512x1xi1>, vector<512x1xf32>
      %select_n3A_465 = arith.select %or3A_463, %broadcast_in_dim3A_459, %scan3A_435 : vector<512x1xi1>, vector<512x1xi32>
      scf.yield %select_n3A_464, %select_n3A_465 : vector<512x1xf32>, vector<512x1xi32>
    }
    %scan3A_27 = arith.constant 10 : i32
    %swap3A = arith.constant 0 : index
    %swap3A_28 = arith.constant 0 : index
    %swap3A_29 = vector.load %arg3[%swap3A, %swap3A_28] : memref<512x32xi32, #tpu.memory_space<vmem>>, vector<512x1xi32>
    tpu.vector_store %arg3[%swap3A, %swap3A_28], %scan3A_26#1 {strides = array<i32>} : memref<512x32xi32, #tpu.memory_space<vmem>>, vector<512x1xi32>,
    %broadcast_in_dim3A_30 = arith.constant 3.000000e+38 : f32
    %broadcast_in_dim3A_31 = vector.broadcast %broadcast_in_dim3A_30 : f32 to vector<512x1xf32>
    %broadcast_in_dim3A_32 = arith.constant 1073741824 : i32
    %broadcast_in_dim3A_33 = vector.broadcast %broadcast_in_dim3A_32 : i32 to vector<512x1xi32>
    %scan3A_34 = arith.constant 0 : i32
    %scan3A_35 = arith.constant 10 : i32
    %scan3A_36 = arith.addi %scan3A_34, %scan3A_35 : i32
    %scan3A_37 = arith.constant 1 : i32
    %scan3A_38:2 = scf.for %scan3A_433 = %scan3A_34 to %scan3A_36 step %scan3A_37 iter_args(%scan3A_434 = %broadcast_in_dim3A_31, %scan3A_435 = %broadcast_in_dim3A_33) -> (vector<512x1xf32>, vector<512x1xi32>)  : i32 {
      %mul3A_436 = arith.constant 1024 : i32
      %mul3A_437 = arith.muli %scan3A_433, %mul3A_436 : i32
      %get3A_438 = arith.constant 0 : index
      %get3A_439 = arith.index_cast %mul3A_437 : i32 to index
      %get3A_440 = vector.load %arg4[%get3A_438, %get3A_439] : memref<512x10240xf32, #tpu.memory_space<vmem>>, vector<512x1024xf32>
      %iota3A = tpu.iota {dimensions = array<i32: 1>} : vector<512x1024xi32>
      %mul3A_441 = arith.constant 1024 : i32
      %mul3A_442 = arith.muli %scan3A_433, %mul3A_441 : i32
      %add3A_443 = vector.broadcast %mul3A_442 : i32 to vector<512x1024xi32>
      %add3A_444 = arith.addi %iota3A, %add3A_443 : vector<512x1024xi32>
      %gt3A = vector.broadcast %scan3A_26#0 : vector<512x1xf32> to vector<512x1024xf32>
      %gt3A_445 = arith.cmpf ogt, %get3A_440, %gt3A : vector<512x1024xf32>
      %eq3A = vector.broadcast %scan3A_26#0 : vector<512x1xf32> to vector<512x1024xf32>
      %eq3A_446 = arith.cmpf oeq, %get3A_440, %eq3A : vector<512x1024xf32>
      %gt3A_447 = vector.broadcast %scan3A_26#1 : vector<512x1xi32> to vector<512x1024xi32>
      %gt3A_448 = arith.cmpi sgt, %add3A_444, %gt3A_447 : vector<512x1024xi32>
      %and3A = arith.andi %eq3A_446, %gt3A_448 : vector<512x1024xi1>
      %or3A = arith.ori %gt3A_445, %and3A : vector<512x1024xi1>
      %jit3A = arith.constant 3.000000e+38 : f32
      %broadcast_in_dim3A_449 = vector.broadcast %jit3A : f32 to vector<512x1024xf32>
      %select_n3A = arith.select %or3A, %get3A_440, %broadcast_in_dim3A_449 : vector<512x1024xi1>, vector<512x1024xf32>
      %reduce_min3A = arith.constant dense<0x7F800000> : vector<512xf32>
      %reduce_min3A_450 = vector.multi_reduction <minimumf>, %select_n3A, %reduce_min3A [1] : vector<512x1024xf32> to vector<512xf32>
      %broadcast_in_dim3A_451 = vector.shape_cast %reduce_min3A_450 : vector<512xf32> to vector<512x1xf32>
      %eq3A_452 = vector.broadcast %broadcast_in_dim3A_451 : vector<512x1xf32> to vector<512x1024xf32>
      %eq3A_453 = arith.cmpf oeq, %select_n3A, %eq3A_452 : vector<512x1024xf32>
      %jit3A_454 = arith.constant 1073741824 : i32
      %broadcast_in_dim3A_455 = vector.broadcast %jit3A_454 : i32 to vector<512x1024xi32>
      %select_n3A_456 = arith.select %eq3A_453, %add3A_444, %broadcast_in_dim3A_455 : vector<512x1024xi1>, vector<512x1024xi32>
      %reduce_min3A_457 = arith.constant dense<2147483647> : vector<512xi32>
      %reduce_min3A_458 = vector.multi_reduction <minsi>, %select_n3A_456, %reduce_min3A_457 [1] : vector<512x1024xi32> to vector<512xi32>
      %broadcast_in_dim3A_459 = vector.shape_cast %reduce_min3A_458 : vector<512xi32> to vector<512x1xi32>
      %lt3A = arith.cmpf olt, %broadcast_in_dim3A_451, %scan3A_434 : vector<512x1xf32>
      %eq3A_460 = arith.cmpf oeq, %broadcast_in_dim3A_451, %scan3A_434 : vector<512x1xf32>
      %lt3A_461 = arith.cmpi slt, %broadcast_in_dim3A_459, %scan3A_435 : vector<512x1xi32>
      %and3A_462 = arith.andi %eq3A_460, %lt3A_461 : vector<512x1xi1>
      %or3A_463 = arith.ori %lt3A, %and3A_462 : vector<512x1xi1>
      %select_n3A_464 = arith.select %or3A_463, %broadcast_in_dim3A_451, %scan3A_434 : vector<512x1xi1>, vector<512x1xf32>
      %select_n3A_465 = arith.select %or3A_463, %broadcast_in_dim3A_459, %scan3A_435 : vector<512x1xi1>, vector<512x1xi32>
      scf.yield %select_n3A_464, %select_n3A_465 : vector<512x1xf32>, vector<512x1xi32>
    }
    %scan3A_39 = arith.constant 10 : i32
    %swap3A_40 = arith.constant 0 : index
    %swap3A_41 = arith.constant 1 : index
    %swap3A_42 = vector.load %arg3[%swap3A_40, %swap3A_41] : memref<512x32xi32, #tpu.memory_space<vmem>>, vector<512x1xi32>
    tpu.vector_store %arg3[%swap3A_40, %swap3A_41], %scan3A_38#1 {strides = array<i32>} : memref<512x32xi32, #tpu.memory_space<vmem>>, vector<512x1xi32>,
    %broadcast_in_dim3A_43 = arith.constant 3.000000e+38 : f32
    %broadcast_in_dim3A_44 = vector.broadcast %broadcast_in_dim3A_43 : f32 to vector<512x1xf32>
    %broadcast_in_dim3A_45 = arith.constant 1073741824 : i32
    %broadcast_in_dim3A_46 = vector.broadcast %broadcast_in_dim3A_45 : i32 to vector<512x1xi32>
    %scan3A_47 = arith.constant 0 : i32
    %scan3A_48 = arith.constant 10 : i32
    %scan3A_49 = arith.addi %scan3A_47, %scan3A_48 : i32
    %scan3A_50 = arith.constant 1 : i32
    %scan3A_51:2 = scf.for %scan3A_433 = %scan3A_47 to %scan3A_49 step %scan3A_50 iter_args(%scan3A_434 = %broadcast_in_dim3A_44, %scan3A_435 = %broadcast_in_dim3A_46) -> (vector<512x1xf32>, vector<512x1xi32>)  : i32 {
      %mul3A_436 = arith.constant 1024 : i32
      %mul3A_437 = arith.muli %scan3A_433, %mul3A_436 : i32
      %get3A_438 = arith.constant 0 : index
      %get3A_439 = arith.index_cast %mul3A_437 : i32 to index
      %get3A_440 = vector.load %arg4[%get3A_438, %get3A_439] : memref<512x10240xf32, #tpu.memory_space<vmem>>, vector<512x1024xf32>
      %iota3A = tpu.iota {dimensions = array<i32: 1>} : vector<512x1024xi32>
      %mul3A_441 = arith.constant 1024 : i32
      %mul3A_442 = arith.muli %scan3A_433, %mul3A_441 : i32
      %add3A_443 = vector.broadcast %mul3A_442 : i32 to vector<512x1024xi32>
      %add3A_444 = arith.addi %iota3A, %add3A_443 : vector<512x1024xi32>
      %gt3A = vector.broadcast %scan3A_38#0 : vector<512x1xf32> to vector<512x1024xf32>
      %gt3A_445 = arith.cmpf ogt, %get3A_440, %gt3A : vector<512x1024xf32>
      %eq3A = vector.broadcast %scan3A_38#0 : vector<512x1xf32> to vector<512x1024xf32>
      %eq3A_446 = arith.cmpf oeq, %get3A_440, %eq3A : vector<512x1024xf32>
      %gt3A_447 = vector.broadcast %scan3A_38#1 : vector<512x1xi32> to vector<512x1024xi32>
      %gt3A_448 = arith.cmpi sgt, %add3A_444, %gt3A_447 : vector<512x1024xi32>
      %and3A = arith.andi %eq3A_446, %gt3A_448 : vector<512x1024xi1>
      %or3A = arith.ori %gt3A_445, %and3A : vector<512x1024xi1>
      %jit3A = arith.constant 3.000000e+38 : f32
      %broadcast_in_dim3A_449 = vector.broadcast %jit3A : f32 to vector<512x1024xf32>
      %select_n3A = arith.select %or3A, %get3A_440, %broadcast_in_dim3A_449 : vector<512x1024xi1>, vector<512x1024xf32>
      %reduce_min3A = arith.constant dense<0x7F800000> : vector<512xf32>
      %reduce_min3A_450 = vector.multi_reduction <minimumf>, %select_n3A, %reduce_min3A [1] : vector<512x1024xf32> to vector<512xf32>
      %broadcast_in_dim3A_451 = vector.shape_cast %reduce_min3A_450 : vector<512xf32> to vector<512x1xf32>
      %eq3A_452 = vector.broadcast %broadcast_in_dim3A_451 : vector<512x1xf32> to vector<512x1024xf32>
      %eq3A_453 = arith.cmpf oeq, %select_n3A, %eq3A_452 : vector<512x1024xf32>
      %jit3A_454 = arith.constant 1073741824 : i32
      %broadcast_in_dim3A_455 = vector.broadcast %jit3A_454 : i32 to vector<512x1024xi32>
      %select_n3A_456 = arith.select %eq3A_453, %add3A_444, %broadcast_in_dim3A_455 : vector<512x1024xi1>, vector<512x1024xi32>
      %reduce_min3A_457 = arith.constant dense<2147483647> : vector<512xi32>
      %reduce_min3A_458 = vector.multi_reduction <minsi>, %select_n3A_456, %reduce_min3A_457 [1] : vector<512x1024xi32> to vector<512xi32>
      %broadcast_in_dim3A_459 = vector.shape_cast %reduce_min3A_458 : vector<512xi32> to vector<512x1xi32>
      %lt3A = arith.cmpf olt, %broadcast_in_dim3A_451, %scan3A_434 : vector<512x1xf32>
      %eq3A_460 = arith.cmpf oeq, %broadcast_in_dim3A_451, %scan3A_434 : vector<512x1xf32>
      %lt3A_461 = arith.cmpi slt, %broadcast_in_dim3A_459, %scan3A_435 : vector<512x1xi32>
      %and3A_462 = arith.andi %eq3A_460, %lt3A_461 : vector<512x1xi1>
      %or3A_463 = arith.ori %lt3A, %and3A_462 : vector<512x1xi1>
      %select_n3A_464 = arith.select %or3A_463, %broadcast_in_dim3A_451, %scan3A_434 : vector<512x1xi1>, vector<512x1xf32>
      %select_n3A_465 = arith.select %or3A_463, %broadcast_in_dim3A_459, %scan3A_435 : vector<512x1xi1>, vector<512x1xi32>
      scf.yield %select_n3A_464, %select_n3A_465 : vector<512x1xf32>, vector<512x1xi32>
    }
    %scan3A_52 = arith.constant 10 : i32
    %swap3A_53 = arith.constant 0 : index
    %swap3A_54 = arith.constant 2 : index
    %swap3A_55 = vector.load %arg3[%swap3A_53, %swap3A_54] : memref<512x32xi32, #tpu.memory_space<vmem>>, vector<512x1xi32>
    tpu.vector_store %arg3[%swap3A_53, %swap3A_54], %scan3A_51#1 {strides = array<i32>} : memref<512x32xi32, #tpu.memory_space<vmem>>, vector<512x1xi32>,
    %broadcast_in_dim3A_56 = arith.constant 3.000000e+38 : f32
    %broadcast_in_dim3A_57 = vector.broadcast %broadcast_in_dim3A_56 : f32 to vector<512x1xf32>
    %broadcast_in_dim3A_58 = arith.constant 1073741824 : i32
    %broadcast_in_dim3A_59 = vector.broadcast %broadcast_in_dim3A_58 : i32 to vector<512x1xi32>
    %scan3A_60 = arith.constant 0 : i32
    %scan3A_61 = arith.constant 10 : i32
    %scan3A_62 = arith.addi %scan3A_60, %scan3A_61 : i32
    %scan3A_63 = arith.constant 1 : i32
    %scan3A_64:2 = scf.for %scan3A_433 = %scan3A_60 to %scan3A_62 step %scan3A_63 iter_args(%scan3A_434 = %broadcast_in_dim3A_57, %scan3A_435 = %broadcast_in_dim3A_59) -> (vector<512x1xf32>, vector<512x1xi32>)  : i32 {
      %mul3A_436 = arith.constant 1024 : i32
      %mul3A_437 = arith.muli %scan3A_433, %mul3A_436 : i32
      %get3A_438 = arith.constant 0 : index
      %get3A_439 = arith.index_cast %mul3A_437 : i32 to index
      %get3A_440 = vector.load %arg4[%get3A_438, %get3A_439] : memref<512x10240xf32, #tpu.memory_space<vmem>>, vector<512x1024xf32>
      %iota3A = tpu.iota {dimensions = array<i32: 1>} : vector<512x1024xi32>
      %mul3A_441 = arith.constant 1024 : i32
      %mul3A_442 = arith.muli %scan3A_433, %mul3A_441 : i32
      %add3A_443 = vector.broadcast %mul3A_442 : i32 to vector<512x1024xi32>
      %add3A_444 = arith.addi %iota3A, %add3A_443 : vector<512x1024xi32>
      %gt3A = vector.broadcast %scan3A_51#0 : vector<512x1xf32> to vector<512x1024xf32>
      %gt3A_445 = arith.cmpf ogt, %get3A_440, %gt3A : vector<512x1024xf32>
      %eq3A = vector.broadcast %scan3A_51#0 : vector<512x1xf32> to vector<512x1024xf32>
      %eq3A_446 = arith.cmpf oeq, %get3A_440, %eq3A : vector<512x1024xf32>
      %gt3A_447 = vector.broadcast %scan3A_51#1 : vector<512x1xi32> to vector<512x1024xi32>
      %gt3A_448 = arith.cmpi sgt, %add3A_444, %gt3A_447 : vector<512x1024xi32>
      %and3A = arith.andi %eq3A_446, %gt3A_448 : vector<512x1024xi1>
      %or3A = arith.ori %gt3A_445, %and3A : vector<512x1024xi1>
      %jit3A = arith.constant 3.000000e+38 : f32
      %broadcast_in_dim3A_449 = vector.broadcast %jit3A : f32 to vector<512x1024xf32>
      %select_n3A = arith.select %or3A, %get3A_440, %broadcast_in_dim3A_449 : vector<512x1024xi1>, vector<512x1024xf32>
      %reduce_min3A = arith.constant dense<0x7F800000> : vector<512xf32>
      %reduce_min3A_450 = vector.multi_reduction <minimumf>, %select_n3A, %reduce_min3A [1] : vector<512x1024xf32> to vector<512xf32>
      %broadcast_in_dim3A_451 = vector.shape_cast %reduce_min3A_450 : vector<512xf32> to vector<512x1xf32>
      %eq3A_452 = vector.broadcast %broadcast_in_dim3A_451 : vector<512x1xf32> to vector<512x1024xf32>
      %eq3A_453 = arith.cmpf oeq, %select_n3A, %eq3A_452 : vector<512x1024xf32>
      %jit3A_454 = arith.constant 1073741824 : i32
      %broadcast_in_dim3A_455 = vector.broadcast %jit3A_454 : i32 to vector<512x1024xi32>
      %select_n3A_456 = arith.select %eq3A_453, %add3A_444, %broadcast_in_dim3A_455 : vector<512x1024xi1>, vector<512x1024xi32>
      %reduce_min3A_457 = arith.constant dense<2147483647> : vector<512xi32>
      %reduce_min3A_458 = vector.multi_reduction <minsi>, %select_n3A_456, %reduce_min3A_457 [1] : vector<512x1024xi32> to vector<512xi32>
      %broadcast_in_dim3A_459 = vector.shape_cast %reduce_min3A_458 : vector<512xi32> to vector<512x1xi32>
      %lt3A = arith.cmpf olt, %broadcast_in_dim3A_451, %scan3A_434 : vector<512x1xf32>
      %eq3A_460 = arith.cmpf oeq, %broadcast_in_dim3A_451, %scan3A_434 : vector<512x1xf32>
      %lt3A_461 = arith.cmpi slt, %broadcast_in_dim3A_459, %scan3A_435 : vector<512x1xi32>
      %and3A_462 = arith.andi %eq3A_460, %lt3A_461 : vector<512x1xi1>
      %or3A_463 = arith.ori %lt3A, %and3A_462 : vector<512x1xi1>
      %select_n3A_464 = arith.select %or3A_463, %broadcast_in_dim3A_451, %scan3A_434 : vector<512x1xi1>, vector<512x1xf32>
      %select_n3A_465 = arith.select %or3A_463, %broadcast_in_dim3A_459, %scan3A_435 : vector<512x1xi1>, vector<512x1xi32>
      scf.yield %select_n3A_464, %select_n3A_465 : vector<512x1xf32>, vector<512x1xi32>
    }
    %scan3A_65 = arith.constant 10 : i32
    %swap3A_66 = arith.constant 0 : index
    %swap3A_67 = arith.constant 3 : index
    %swap3A_68 = vector.load %arg3[%swap3A_66, %swap3A_67] : memref<512x32xi32, #tpu.memory_space<vmem>>, vector<512x1xi32>
    tpu.vector_store %arg3[%swap3A_66, %swap3A_67], %scan3A_64#1 {strides = array<i32>} : memref<512x32xi32, #tpu.memory_space<vmem>>, vector<512x1xi32>,
    %broadcast_in_dim3A_69 = arith.constant 3.000000e+38 : f32
    %broadcast_in_dim3A_70 = vector.broadcast %broadcast_in_dim3A_69 : f32 to vector<512x1xf32>
    %broadcast_in_dim3A_71 = arith.constant 1073741824 : i32
    %broadcast_in_dim3A_72 = vector.broadcast %broadcast_in_dim3A_71 : i32 to vector<512x1xi32>
    %scan3A_73 = arith.constant 0 : i32
    %scan3A_74 = arith.constant 10 : i32
    %scan3A_75 = arith.addi %scan3A_73, %scan3A_74 : i32
    %scan3A_76 = arith.constant 1 : i32
    %scan3A_77:2 = scf.for %scan3A_433 = %scan3A_73 to %scan3A_75 step %scan3A_76 iter_args(%scan3A_434 = %broadcast_in_dim3A_70, %scan3A_435 = %broadcast_in_dim3A_72) -> (vector<512x1xf32>, vector<512x1xi32>)  : i32 {
      %mul3A_436 = arith.constant 1024 : i32
      %mul3A_437 = arith.muli %scan3A_433, %mul3A_436 : i32
      %get3A_438 = arith.constant 0 : index
      %get3A_439 = arith.index_cast %mul3A_437 : i32 to index
      %get3A_440 = vector.load %arg4[%get3A_438, %get3A_439] : memref<512x10240xf32, #tpu.memory_space<vmem>>, vector<512x1024xf32>
      %iota3A = tpu.iota {dimensions = array<i32: 1>} : vector<512x1024xi32>
      %mul3A_441 = arith.constant 1024 : i32
      %mul3A_442 = arith.muli %scan3A_433, %mul3A_441 : i32
      %add3A_443 = vector.broadcast %mul3A_442 : i32 to vector<512x1024xi32>
      %add3A_444 = arith.addi %iota3A, %add3A_443 : vector<512x1024xi32>
      %gt3A = vector.broadcast %scan3A_64#0 : vector<512x1xf32> to vector<512x1024xf32>
      %gt3A_445 = arith.cmpf ogt, %get3A_440, %gt3A : vector<512x1024xf32>
      %eq3A = vector.broadcast %scan3A_64#0 : vector<512x1xf32> to vector<512x1024xf32>
      %eq3A_446 = arith.cmpf oeq, %get3A_440, %eq3A : vector<512x1024xf32>
      %gt3A_447 = vector.broadcast %scan3A_64#1 : vector<512x1xi32> to vector<512x1024xi32>
      %gt3A_448 = arith.cmpi sgt, %add3A_444, %gt3A_447 : vector<512x1024xi32>
      %and3A = arith.andi %eq3A_446, %gt3A_448 : vector<512x1024xi1>
      %or3A = arith.ori %gt3A_445, %and3A : vector<512x1024xi1>
      %jit3A = arith.constant 3.000000e+38 : f32
      %broadcast_in_dim3A_449 = vector.broadcast %jit3A : f32 to vector<512x1024xf32>
      %select_n3A = arith.select %or3A, %get3A_440, %broadcast_in_dim3A_449 : vector<512x1024xi1>, vector<512x1024xf32>
      %reduce_min3A = arith.constant dense<0x7F800000> : vector<512xf32>
      %reduce_min3A_450 = vector.multi_reduction <minimumf>, %select_n3A, %reduce_min3A [1] : vector<512x1024xf32> to vector<512xf32>
      %broadcast_in_dim3A_451 = vector.shape_cast %reduce_min3A_450 : vector<512xf32> to vector<512x1xf32>
      %eq3A_452 = vector.broadcast %broadcast_in_dim3A_451 : vector<512x1xf32> to vector<512x1024xf32>
      %eq3A_453 = arith.cmpf oeq, %select_n3A, %eq3A_452 : vector<512x1024xf32>
      %jit3A_454 = arith.constant 1073741824 : i32
      %broadcast_in_dim3A_455 = vector.broadcast %jit3A_454 : i32 to vector<512x1024xi32>
      %select_n3A_456 = arith.select %eq3A_453, %add3A_444, %broadcast_in_dim3A_455 : vector<512x1024xi1>, vector<512x1024xi32>
      %reduce_min3A_457 = arith.constant dense<2147483647> : vector<512xi32>
      %reduce_min3A_458 = vector.multi_reduction <minsi>, %select_n3A_456, %reduce_min3A_457 [1] : vector<512x1024xi32> to vector<512xi32>
      %broadcast_in_dim3A_459 = vector.shape_cast %reduce_min3A_458 : vector<512xi32> to vector<512x1xi32>
      %lt3A = arith.cmpf olt, %broadcast_in_dim3A_451, %scan3A_434 : vector<512x1xf32>
      %eq3A_460 = arith.cmpf oeq, %broadcast_in_dim3A_451, %scan3A_434 : vector<512x1xf32>
      %lt3A_461 = arith.cmpi slt, %broadcast_in_dim3A_459, %scan3A_435 : vector<512x1xi32>
      %and3A_462 = arith.andi %eq3A_460, %lt3A_461 : vector<512x1xi1>
      %or3A_463 = arith.ori %lt3A, %and3A_462 : vector<512x1xi1>
      %select_n3A_464 = arith.select %or3A_463, %broadcast_in_dim3A_451, %scan3A_434 : vector<512x1xi1>, vector<512x1xf32>
      %select_n3A_465 = arith.select %or3A_463, %broadcast_in_dim3A_459, %scan3A_435 : vector<512x1xi1>, vector<512x1xi32>
      scf.yield %select_n3A_464, %select_n3A_465 : vector<512x1xf32>, vector<512x1xi32>
    }
    %scan3A_78 = arith.constant 10 : i32
    %swap3A_79 = arith.constant 0 : index
    %swap3A_80 = arith.constant 4 : index
    %swap3A_81 = vector.load %arg3[%swap3A_79, %swap3A_80] : memref<512x32xi32, #tpu.memory_space<vmem>>, vector<512x1xi32>
    tpu.vector_store %arg3[%swap3A_79, %swap3A_80], %scan3A_77#1 {strides = array<i32>} : memref<512x32xi32, #tpu.memory_space<vmem>>, vector<512x1xi32>,
    %broadcast_in_dim3A_82 = arith.constant 3.000000e+38 : f32
    %broadcast_in_dim3A_83 = vector.broadcast %broadcast_in_dim3A_82 : f32 to vector<512x1xf32>
    %broadcast_in_dim3A_84 = arith.constant 1073741824 : i32
    %broadcast_in_dim3A_85 = vector.broadcast %broadcast_in_dim3A_84 : i32 to vector<512x1xi32>
    %scan3A_86 = arith.constant 0 : i32
    %scan3A_87 = arith.constant 10 : i32
    %scan3A_88 = arith.addi %scan3A_86, %scan3A_87 : i32
    %scan3A_89 = arith.constant 1 : i32
    %scan3A_90:2 = scf.for %scan3A_433 = %scan3A_86 to %scan3A_88 step %scan3A_89 iter_args(%scan3A_434 = %broadcast_in_dim3A_83, %scan3A_435 = %broadcast_in_dim3A_85) -> (vector<512x1xf32>, vector<512x1xi32>)  : i32 {
      %mul3A_436 = arith.constant 1024 : i32
      %mul3A_437 = arith.muli %scan3A_433, %mul3A_436 : i32
      %get3A_438 = arith.constant 0 : index
      %get3A_439 = arith.index_cast %mul3A_437 : i32 to index
      %get3A_440 = vector.load %arg4[%get3A_438, %get3A_439] : memref<512x10240xf32, #tpu.memory_space<vmem>>, vector<512x1024xf32>
      %iota3A = tpu.iota {dimensions = array<i32: 1>} : vector<512x1024xi32>
      %mul3A_441 = arith.constant 1024 : i32
      %mul3A_442 = arith.muli %scan3A_433, %mul3A_441 : i32
      %add3A_443 = vector.broadcast %mul3A_442 : i32 to vector<512x1024xi32>
      %add3A_444 = arith.addi %iota3A, %add3A_443 : vector<512x1024xi32>
      %gt3A = vector.broadcast %scan3A_77#0 : vector<512x1xf32> to vector<512x1024xf32>
      %gt3A_445 = arith.cmpf ogt, %get3A_440, %gt3A : vector<512x1024xf32>
      %eq3A = vector.broadcast %scan3A_77#0 : vector<512x1xf32> to vector<512x1024xf32>
      %eq3A_446 = arith.cmpf oeq, %get3A_440, %eq3A : vector<512x1024xf32>
      %gt3A_447 = vector.broadcast %scan3A_77#1 : vector<512x1xi32> to vector<512x1024xi32>
      %gt3A_448 = arith.cmpi sgt, %add3A_444, %gt3A_447 : vector<512x1024xi32>
      %and3A = arith.andi %eq3A_446, %gt3A_448 : vector<512x1024xi1>
      %or3A = arith.ori %gt3A_445, %and3A : vector<512x1024xi1>
      %jit3A = arith.constant 3.000000e+38 : f32
      %broadcast_in_dim3A_449 = vector.broadcast %jit3A : f32 to vector<512x1024xf32>
      %select_n3A = arith.select %or3A, %get3A_440, %broadcast_in_dim3A_449 : vector<512x1024xi1>, vector<512x1024xf32>
      %reduce_min3A = arith.constant dense<0x7F800000> : vector<512xf32>
      %reduce_min3A_450 = vector.multi_reduction <minimumf>, %select_n3A, %reduce_min3A [1] : vector<512x1024xf32> to vector<512xf32>
      %broadcast_in_dim3A_451 = vector.shape_cast %reduce_min3A_450 : vector<512xf32> to vector<512x1xf32>
      %eq3A_452 = vector.broadcast %broadcast_in_dim3A_451 : vector<512x1xf32> to vector<512x1024xf32>
      %eq3A_453 = arith.cmpf oeq, %select_n3A, %eq3A_452 : vector<512x1024xf32>
      %jit3A_454 = arith.constant 1073741824 : i32
      %broadcast_in_dim3A_455 = vector.broadcast %jit3A_454 : i32 to vector<512x1024xi32>
      %select_n3A_456 = arith.select %eq3A_453, %add3A_444, %broadcast_in_dim3A_455 : vector<512x1024xi1>, vector<512x1024xi32>
      %reduce_min3A_457 = arith.constant dense<2147483647> : vector<512xi32>
      %reduce_min3A_458 = vector.multi_reduction <minsi>, %select_n3A_456, %reduce_min3A_457 [1] : vector<512x1024xi32> to vector<512xi32>
      %broadcast_in_dim3A_459 = vector.shape_cast %reduce_min3A_458 : vector<512xi32> to vector<512x1xi32>
      %lt3A = arith.cmpf olt, %broadcast_in_dim3A_451, %scan3A_434 : vector<512x1xf32>
      %eq3A_460 = arith.cmpf oeq, %broadcast_in_dim3A_451, %scan3A_434 : vector<512x1xf32>
      %lt3A_461 = arith.cmpi slt, %broadcast_in_dim3A_459, %scan3A_435 : vector<512x1xi32>
      %and3A_462 = arith.andi %eq3A_460, %lt3A_461 : vector<512x1xi1>
      %or3A_463 = arith.ori %lt3A, %and3A_462 : vector<512x1xi1>
      %select_n3A_464 = arith.select %or3A_463, %broadcast_in_dim3A_451, %scan3A_434 : vector<512x1xi1>, vector<512x1xf32>
      %select_n3A_465 = arith.select %or3A_463, %broadcast_in_dim3A_459, %scan3A_435 : vector<512x1xi1>, vector<512x1xi32>
      scf.yield %select_n3A_464, %select_n3A_465 : vector<512x1xf32>, vector<512x1xi32>
    }
    %scan3A_91 = arith.constant 10 : i32
    %swap3A_92 = arith.constant 0 : index
    %swap3A_93 = arith.constant 5 : index
    %swap3A_94 = vector.load %arg3[%swap3A_92, %swap3A_93] : memref<512x32xi32, #tpu.memory_space<vmem>>, vector<512x1xi32>
    tpu.vector_store %arg3[%swap3A_92, %swap3A_93], %scan3A_90#1 {strides = array<i32>} : memref<512x32xi32, #tpu.memory_space<vmem>>, vector<512x1xi32>,
    %broadcast_in_dim3A_95 = arith.constant 3.000000e+38 : f32
    %broadcast_in_dim3A_96 = vector.broadcast %broadcast_in_dim3A_95 : f32 to vector<512x1xf32>
    %broadcast_in_dim3A_97 = arith.constant 1073741824 : i32
    %broadcast_in_dim3A_98 = vector.broadcast %broadcast_in_dim3A_97 : i32 to vector<512x1xi32>
    %scan3A_99 = arith.constant 0 : i32
    %scan3A_100 = arith.constant 10 : i32
    %scan3A_101 = arith.addi %scan3A_99, %scan3A_100 : i32
    %scan3A_102 = arith.constant 1 : i32
    %scan3A_103:2 = scf.for %scan3A_433 = %scan3A_99 to %scan3A_101 step %scan3A_102 iter_args(%scan3A_434 = %broadcast_in_dim3A_96, %scan3A_435 = %broadcast_in_dim3A_98) -> (vector<512x1xf32>, vector<512x1xi32>)  : i32 {
      %mul3A_436 = arith.constant 1024 : i32
      %mul3A_437 = arith.muli %scan3A_433, %mul3A_436 : i32
      %get3A_438 = arith.constant 0 : index
      %get3A_439 = arith.index_cast %mul3A_437 : i32 to index
      %get3A_440 = vector.load %arg4[%get3A_438, %get3A_439] : memref<512x10240xf32, #tpu.memory_space<vmem>>, vector<512x1024xf32>
      %iota3A = tpu.iota {dimensions = array<i32: 1>} : vector<512x1024xi32>
      %mul3A_441 = arith.constant 1024 : i32
      %mul3A_442 = arith.muli %scan3A_433, %mul3A_441 : i32
      %add3A_443 = vector.broadcast %mul3A_442 : i32 to vector<512x1024xi32>
      %add3A_444 = arith.addi %iota3A, %add3A_443 : vector<512x1024xi32>
      %gt3A = vector.broadcast %scan3A_90#0 : vector<512x1xf32> to vector<512x1024xf32>
      %gt3A_445 = arith.cmpf ogt, %get3A_440, %gt3A : vector<512x1024xf32>
      %eq3A = vector.broadcast %scan3A_90#0 : vector<512x1xf32> to vector<512x1024xf32>
      %eq3A_446 = arith.cmpf oeq, %get3A_440, %eq3A : vector<512x1024xf32>
      %gt3A_447 = vector.broadcast %scan3A_90#1 : vector<512x1xi32> to vector<512x1024xi32>
      %gt3A_448 = arith.cmpi sgt, %add3A_444, %gt3A_447 : vector<512x1024xi32>
      %and3A = arith.andi %eq3A_446, %gt3A_448 : vector<512x1024xi1>
      %or3A = arith.ori %gt3A_445, %and3A : vector<512x1024xi1>
      %jit3A = arith.constant 3.000000e+38 : f32
      %broadcast_in_dim3A_449 = vector.broadcast %jit3A : f32 to vector<512x1024xf32>
      %select_n3A = arith.select %or3A, %get3A_440, %broadcast_in_dim3A_449 : vector<512x1024xi1>, vector<512x1024xf32>
      %reduce_min3A = arith.constant dense<0x7F800000> : vector<512xf32>
      %reduce_min3A_450 = vector.multi_reduction <minimumf>, %select_n3A, %reduce_min3A [1] : vector<512x1024xf32> to vector<512xf32>
      %broadcast_in_dim3A_451 = vector.shape_cast %reduce_min3A_450 : vector<512xf32> to vector<512x1xf32>
      %eq3A_452 = vector.broadcast %broadcast_in_dim3A_451 : vector<512x1xf32> to vector<512x1024xf32>
      %eq3A_453 = arith.cmpf oeq, %select_n3A, %eq3A_452 : vector<512x1024xf32>
      %jit3A_454 = arith.constant 1073741824 : i32
      %broadcast_in_dim3A_455 = vector.broadcast %jit3A_454 : i32 to vector<512x1024xi32>
      %select_n3A_456 = arith.select %eq3A_453, %add3A_444, %broadcast_in_dim3A_455 : vector<512x1024xi1>, vector<512x1024xi32>
      %reduce_min3A_457 = arith.constant dense<2147483647> : vector<512xi32>
      %reduce_min3A_458 = vector.multi_reduction <minsi>, %select_n3A_456, %reduce_min3A_457 [1] : vector<512x1024xi32> to vector<512xi32>
      %broadcast_in_dim3A_459 = vector.shape_cast %reduce_min3A_458 : vector<512xi32> to vector<512x1xi32>
      %lt3A = arith.cmpf olt, %broadcast_in_dim3A_451, %scan3A_434 : vector<512x1xf32>
      %eq3A_460 = arith.cmpf oeq, %broadcast_in_dim3A_451, %scan3A_434 : vector<512x1xf32>
      %lt3A_461 = arith.cmpi slt, %broadcast_in_dim3A_459, %scan3A_435 : vector<512x1xi32>
      %and3A_462 = arith.andi %eq3A_460, %lt3A_461 : vector<512x1xi1>
      %or3A_463 = arith.ori %lt3A, %and3A_462 : vector<512x1xi1>
      %select_n3A_464 = arith.select %or3A_463, %broadcast_in_dim3A_451, %scan3A_434 : vector<512x1xi1>, vector<512x1xf32>
      %select_n3A_465 = arith.select %or3A_463, %broadcast_in_dim3A_459, %scan3A_435 : vector<512x1xi1>, vector<512x1xi32>
      scf.yield %select_n3A_464, %select_n3A_465 : vector<512x1xf32>, vector<512x1xi32>
    }
    %scan3A_104 = arith.constant 10 : i32
    %swap3A_105 = arith.constant 0 : index
    %swap3A_106 = arith.constant 6 : index
    %swap3A_107 = vector.load %arg3[%swap3A_105, %swap3A_106] : memref<512x32xi32, #tpu.memory_space<vmem>>, vector<512x1xi32>
    tpu.vector_store %arg3[%swap3A_105, %swap3A_106], %scan3A_103#1 {strides = array<i32>} : memref<512x32xi32, #tpu.memory_space<vmem>>, vector<512x1xi32>,
    %broadcast_in_dim3A_108 = arith.constant 3.000000e+38 : f32
    %broadcast_in_dim3A_109 = vector.broadcast %broadcast_in_dim3A_108 : f32 to vector<512x1xf32>
    %broadcast_in_dim3A_110 = arith.constant 1073741824 : i32
    %broadcast_in_dim3A_111 = vector.broadcast %broadcast_in_dim3A_110 : i32 to vector<512x1xi32>
    %scan3A_112 = arith.constant 0 : i32
    %scan3A_113 = arith.constant 10 : i32
    %scan3A_114 = arith.addi %scan3A_112, %scan3A_113 : i32
    %scan3A_115 = arith.constant 1 : i32
    %scan3A_116:2 = scf.for %scan3A_433 = %scan3A_112 to %scan3A_114 step %scan3A_115 iter_args(%scan3A_434 = %broadcast_in_dim3A_109, %scan3A_435 = %broadcast_in_dim3A_111) -> (vector<512x1xf32>, vector<512x1xi32>)  : i32 {
      %mul3A_436 = arith.constant 1024 : i32
      %mul3A_437 = arith.muli %scan3A_433, %mul3A_436 : i32
      %get3A_438 = arith.constant 0 : index
      %get3A_439 = arith.index_cast %mul3A_437 : i32 to index
      %get3A_440 = vector.load %arg4[%get3A_438, %get3A_439] : memref<512x10240xf32, #tpu.memory_space<vmem>>, vector<512x1024xf32>
      %iota3A = tpu.iota {dimensions = array<i32: 1>} : vector<512x1024xi32>
      %mul3A_441 = arith.constant 1024 : i32
      %mul3A_442 = arith.muli %scan3A_433, %mul3A_441 : i32
      %add3A_443 = vector.broadcast %mul3A_442 : i32 to vector<512x1024xi32>
      %add3A_444 = arith.addi %iota3A, %add3A_443 : vector<512x1024xi32>
      %gt3A = vector.broadcast %scan3A_103#0 : vector<512x1xf32> to vector<512x1024xf32>
      %gt3A_445 = arith.cmpf ogt, %get3A_440, %gt3A : vector<512x1024xf32>
      %eq3A = vector.broadcast %scan3A_103#0 : vector<512x1xf32> to vector<512x1024xf32>
      %eq3A_446 = arith.cmpf oeq, %get3A_440, %eq3A : vector<512x1024xf32>
      %gt3A_447 = vector.broadcast %scan3A_103#1 : vector<512x1xi32> to vector<512x1024xi32>
      %gt3A_448 = arith.cmpi sgt, %add3A_444, %gt3A_447 : vector<512x1024xi32>
      %and3A = arith.andi %eq3A_446, %gt3A_448 : vector<512x1024xi1>
      %or3A = arith.ori %gt3A_445, %and3A : vector<512x1024xi1>
      %jit3A = arith.constant 3.000000e+38 : f32
      %broadcast_in_dim3A_449 = vector.broadcast %jit3A : f32 to vector<512x1024xf32>
      %select_n3A = arith.select %or3A, %get3A_440, %broadcast_in_dim3A_449 : vector<512x1024xi1>, vector<512x1024xf32>
      %reduce_min3A = arith.constant dense<0x7F800000> : vector<512xf32>
      %reduce_min3A_450 = vector.multi_reduction <minimumf>, %select_n3A, %reduce_min3A [1] : vector<512x1024xf32> to vector<512xf32>
      %broadcast_in_dim3A_451 = vector.shape_cast %reduce_min3A_450 : vector<512xf32> to vector<512x1xf32>
      %eq3A_452 = vector.broadcast %broadcast_in_dim3A_451 : vector<512x1xf32> to vector<512x1024xf32>
      %eq3A_453 = arith.cmpf oeq, %select_n3A, %eq3A_452 : vector<512x1024xf32>
      %jit3A_454 = arith.constant 1073741824 : i32
      %broadcast_in_dim3A_455 = vector.broadcast %jit3A_454 : i32 to vector<512x1024xi32>
      %select_n3A_456 = arith.select %eq3A_453, %add3A_444, %broadcast_in_dim3A_455 : vector<512x1024xi1>, vector<512x1024xi32>
      %reduce_min3A_457 = arith.constant dense<2147483647> : vector<512xi32>
      %reduce_min3A_458 = vector.multi_reduction <minsi>, %select_n3A_456, %reduce_min3A_457 [1] : vector<512x1024xi32> to vector<512xi32>
      %broadcast_in_dim3A_459 = vector.shape_cast %reduce_min3A_458 : vector<512xi32> to vector<512x1xi32>
      %lt3A = arith.cmpf olt, %broadcast_in_dim3A_451, %scan3A_434 : vector<512x1xf32>
      %eq3A_460 = arith.cmpf oeq, %broadcast_in_dim3A_451, %scan3A_434 : vector<512x1xf32>
      %lt3A_461 = arith.cmpi slt, %broadcast_in_dim3A_459, %scan3A_435 : vector<512x1xi32>
      %and3A_462 = arith.andi %eq3A_460, %lt3A_461 : vector<512x1xi1>
      %or3A_463 = arith.ori %lt3A, %and3A_462 : vector<512x1xi1>
      %select_n3A_464 = arith.select %or3A_463, %broadcast_in_dim3A_451, %scan3A_434 : vector<512x1xi1>, vector<512x1xf32>
      %select_n3A_465 = arith.select %or3A_463, %broadcast_in_dim3A_459, %scan3A_435 : vector<512x1xi1>, vector<512x1xi32>
      scf.yield %select_n3A_464, %select_n3A_465 : vector<512x1xf32>, vector<512x1xi32>
    }
    %scan3A_117 = arith.constant 10 : i32
    %swap3A_118 = arith.constant 0 : index
    %swap3A_119 = arith.constant 7 : index
    %swap3A_120 = vector.load %arg3[%swap3A_118, %swap3A_119] : memref<512x32xi32, #tpu.memory_space<vmem>>, vector<512x1xi32>
    tpu.vector_store %arg3[%swap3A_118, %swap3A_119], %scan3A_116#1 {strides = array<i32>} : memref<512x32xi32, #tpu.memory_space<vmem>>, vector<512x1xi32>,
    %broadcast_in_dim3A_121 = arith.constant 3.000000e+38 : f32
    %broadcast_in_dim3A_122 = vector.broadcast %broadcast_in_dim3A_121 : f32 to vector<512x1xf32>
    %broadcast_in_dim3A_123 = arith.constant 1073741824 : i32
    %broadcast_in_dim3A_124 = vector.broadcast %broadcast_in_dim3A_123 : i32 to vector<512x1xi32>
    %scan3A_125 = arith.constant 0 : i32
    %scan3A_126 = arith.constant 10 : i32
    %scan3A_127 = arith.addi %scan3A_125, %scan3A_126 : i32
    %scan3A_128 = arith.constant 1 : i32
    %scan3A_129:2 = scf.for %scan3A_433 = %scan3A_125 to %scan3A_127 step %scan3A_128 iter_args(%scan3A_434 = %broadcast_in_dim3A_122, %scan3A_435 = %broadcast_in_dim3A_124) -> (vector<512x1xf32>, vector<512x1xi32>)  : i32 {
      %mul3A_436 = arith.constant 1024 : i32
      %mul3A_437 = arith.muli %scan3A_433, %mul3A_436 : i32
      %get3A_438 = arith.constant 0 : index
      %get3A_439 = arith.index_cast %mul3A_437 : i32 to index
      %get3A_440 = vector.load %arg4[%get3A_438, %get3A_439] : memref<512x10240xf32, #tpu.memory_space<vmem>>, vector<512x1024xf32>
      %iota3A = tpu.iota {dimensions = array<i32: 1>} : vector<512x1024xi32>
      %mul3A_441 = arith.constant 1024 : i32
      %mul3A_442 = arith.muli %scan3A_433, %mul3A_441 : i32
      %add3A_443 = vector.broadcast %mul3A_442 : i32 to vector<512x1024xi32>
      %add3A_444 = arith.addi %iota3A, %add3A_443 : vector<512x1024xi32>
      %gt3A = vector.broadcast %scan3A_116#0 : vector<512x1xf32> to vector<512x1024xf32>
      %gt3A_445 = arith.cmpf ogt, %get3A_440, %gt3A : vector<512x1024xf32>
      %eq3A = vector.broadcast %scan3A_116#0 : vector<512x1xf32> to vector<512x1024xf32>
      %eq3A_446 = arith.cmpf oeq, %get3A_440, %eq3A : vector<512x1024xf32>
      %gt3A_447 = vector.broadcast %scan3A_116#1 : vector<512x1xi32> to vector<512x1024xi32>
      %gt3A_448 = arith.cmpi sgt, %add3A_444, %gt3A_447 : vector<512x1024xi32>
      %and3A = arith.andi %eq3A_446, %gt3A_448 : vector<512x1024xi1>
      %or3A = arith.ori %gt3A_445, %and3A : vector<512x1024xi1>
      %jit3A = arith.constant 3.000000e+38 : f32
      %broadcast_in_dim3A_449 = vector.broadcast %jit3A : f32 to vector<512x1024xf32>
      %select_n3A = arith.select %or3A, %get3A_440, %broadcast_in_dim3A_449 : vector<512x1024xi1>, vector<512x1024xf32>
      %reduce_min3A = arith.constant dense<0x7F800000> : vector<512xf32>
      %reduce_min3A_450 = vector.multi_reduction <minimumf>, %select_n3A, %reduce_min3A [1] : vector<512x1024xf32> to vector<512xf32>
      %broadcast_in_dim3A_451 = vector.shape_cast %reduce_min3A_450 : vector<512xf32> to vector<512x1xf32>
      %eq3A_452 = vector.broadcast %broadcast_in_dim3A_451 : vector<512x1xf32> to vector<512x1024xf32>
      %eq3A_453 = arith.cmpf oeq, %select_n3A, %eq3A_452 : vector<512x1024xf32>
      %jit3A_454 = arith.constant 1073741824 : i32
      %broadcast_in_dim3A_455 = vector.broadcast %jit3A_454 : i32 to vector<512x1024xi32>
      %select_n3A_456 = arith.select %eq3A_453, %add3A_444, %broadcast_in_dim3A_455 : vector<512x1024xi1>, vector<512x1024xi32>
      %reduce_min3A_457 = arith.constant dense<2147483647> : vector<512xi32>
      %reduce_min3A_458 = vector.multi_reduction <minsi>, %select_n3A_456, %reduce_min3A_457 [1] : vector<512x1024xi32> to vector<512xi32>
      %broadcast_in_dim3A_459 = vector.shape_cast %reduce_min3A_458 : vector<512xi32> to vector<512x1xi32>
      %lt3A = arith.cmpf olt, %broadcast_in_dim3A_451, %scan3A_434 : vector<512x1xf32>
      %eq3A_460 = arith.cmpf oeq, %broadcast_in_dim3A_451, %scan3A_434 : vector<512x1xf32>
      %lt3A_461 = arith.cmpi slt, %broadcast_in_dim3A_459, %scan3A_435 : vector<512x1xi32>
      %and3A_462 = arith.andi %eq3A_460, %lt3A_461 : vector<512x1xi1>
      %or3A_463 = arith.ori %lt3A, %and3A_462 : vector<512x1xi1>
      %select_n3A_464 = arith.select %or3A_463, %broadcast_in_dim3A_451, %scan3A_434 : vector<512x1xi1>, vector<512x1xf32>
      %select_n3A_465 = arith.select %or3A_463, %broadcast_in_dim3A_459, %scan3A_435 : vector<512x1xi1>, vector<512x1xi32>
      scf.yield %select_n3A_464, %select_n3A_465 : vector<512x1xf32>, vector<512x1xi32>
    }
    %scan3A_130 = arith.constant 10 : i32
    %swap3A_131 = arith.constant 0 : index
    %swap3A_132 = arith.constant 8 : index
    %swap3A_133 = vector.load %arg3[%swap3A_131, %swap3A_132] : memref<512x32xi32, #tpu.memory_space<vmem>>, vector<512x1xi32>
    tpu.vector_store %arg3[%swap3A_131, %swap3A_132], %scan3A_129#1 {strides = array<i32>} : memref<512x32xi32, #tpu.memory_space<vmem>>, vector<512x1xi32>,
    %broadcast_in_dim3A_134 = arith.constant 3.000000e+38 : f32
    %broadcast_in_dim3A_135 = vector.broadcast %broadcast_in_dim3A_134 : f32 to vector<512x1xf32>
    %broadcast_in_dim3A_136 = arith.constant 1073741824 : i32
    %broadcast_in_dim3A_137 = vector.broadcast %broadcast_in_dim3A_136 : i32 to vector<512x1xi32>
    %scan3A_138 = arith.constant 0 : i32
    %scan3A_139 = arith.constant 10 : i32
    %scan3A_140 = arith.addi %scan3A_138, %scan3A_139 : i32
    %scan3A_141 = arith.constant 1 : i32
    %scan3A_142:2 = scf.for %scan3A_433 = %scan3A_138 to %scan3A_140 step %scan3A_141 iter_args(%scan3A_434 = %broadcast_in_dim3A_135, %scan3A_435 = %broadcast_in_dim3A_137) -> (vector<512x1xf32>, vector<512x1xi32>)  : i32 {
      %mul3A_436 = arith.constant 1024 : i32
      %mul3A_437 = arith.muli %scan3A_433, %mul3A_436 : i32
      %get3A_438 = arith.constant 0 : index
      %get3A_439 = arith.index_cast %mul3A_437 : i32 to index
      %get3A_440 = vector.load %arg4[%get3A_438, %get3A_439] : memref<512x10240xf32, #tpu.memory_space<vmem>>, vector<512x1024xf32>
      %iota3A = tpu.iota {dimensions = array<i32: 1>} : vector<512x1024xi32>
      %mul3A_441 = arith.constant 1024 : i32
      %mul3A_442 = arith.muli %scan3A_433, %mul3A_441 : i32
      %add3A_443 = vector.broadcast %mul3A_442 : i32 to vector<512x1024xi32>
      %add3A_444 = arith.addi %iota3A, %add3A_443 : vector<512x1024xi32>
      %gt3A = vector.broadcast %scan3A_129#0 : vector<512x1xf32> to vector<512x1024xf32>
      %gt3A_445 = arith.cmpf ogt, %get3A_440, %gt3A : vector<512x1024xf32>
      %eq3A = vector.broadcast %scan3A_129#0 : vector<512x1xf32> to vector<512x1024xf32>
      %eq3A_446 = arith.cmpf oeq, %get3A_440, %eq3A : vector<512x1024xf32>
      %gt3A_447 = vector.broadcast %scan3A_129#1 : vector<512x1xi32> to vector<512x1024xi32>
      %gt3A_448 = arith.cmpi sgt, %add3A_444, %gt3A_447 : vector<512x1024xi32>
      %and3A = arith.andi %eq3A_446, %gt3A_448 : vector<512x1024xi1>
      %or3A = arith.ori %gt3A_445, %and3A : vector<512x1024xi1>
      %jit3A = arith.constant 3.000000e+38 : f32
      %broadcast_in_dim3A_449 = vector.broadcast %jit3A : f32 to vector<512x1024xf32>
      %select_n3A = arith.select %or3A, %get3A_440, %broadcast_in_dim3A_449 : vector<512x1024xi1>, vector<512x1024xf32>
      %reduce_min3A = arith.constant dense<0x7F800000> : vector<512xf32>
      %reduce_min3A_450 = vector.multi_reduction <minimumf>, %select_n3A, %reduce_min3A [1] : vector<512x1024xf32> to vector<512xf32>
      %broadcast_in_dim3A_451 = vector.shape_cast %reduce_min3A_450 : vector<512xf32> to vector<512x1xf32>
      %eq3A_452 = vector.broadcast %broadcast_in_dim3A_451 : vector<512x1xf32> to vector<512x1024xf32>
      %eq3A_453 = arith.cmpf oeq, %select_n3A, %eq3A_452 : vector<512x1024xf32>
      %jit3A_454 = arith.constant 1073741824 : i32
      %broadcast_in_dim3A_455 = vector.broadcast %jit3A_454 : i32 to vector<512x1024xi32>
      %select_n3A_456 = arith.select %eq3A_453, %add3A_444, %broadcast_in_dim3A_455 : vector<512x1024xi1>, vector<512x1024xi32>
      %reduce_min3A_457 = arith.constant dense<2147483647> : vector<512xi32>
      %reduce_min3A_458 = vector.multi_reduction <minsi>, %select_n3A_456, %reduce_min3A_457 [1] : vector<512x1024xi32> to vector<512xi32>
      %broadcast_in_dim3A_459 = vector.shape_cast %reduce_min3A_458 : vector<512xi32> to vector<512x1xi32>
      %lt3A = arith.cmpf olt, %broadcast_in_dim3A_451, %scan3A_434 : vector<512x1xf32>
      %eq3A_460 = arith.cmpf oeq, %broadcast_in_dim3A_451, %scan3A_434 : vector<512x1xf32>
      %lt3A_461 = arith.cmpi slt, %broadcast_in_dim3A_459, %scan3A_435 : vector<512x1xi32>
      %and3A_462 = arith.andi %eq3A_460, %lt3A_461 : vector<512x1xi1>
      %or3A_463 = arith.ori %lt3A, %and3A_462 : vector<512x1xi1>
      %select_n3A_464 = arith.select %or3A_463, %broadcast_in_dim3A_451, %scan3A_434 : vector<512x1xi1>, vector<512x1xf32>
      %select_n3A_465 = arith.select %or3A_463, %broadcast_in_dim3A_459, %scan3A_435 : vector<512x1xi1>, vector<512x1xi32>
      scf.yield %select_n3A_464, %select_n3A_465 : vector<512x1xf32>, vector<512x1xi32>
    }
    %scan3A_143 = arith.constant 10 : i32
    %swap3A_144 = arith.constant 0 : index
    %swap3A_145 = arith.constant 9 : index
    %swap3A_146 = vector.load %arg3[%swap3A_144, %swap3A_145] : memref<512x32xi32, #tpu.memory_space<vmem>>, vector<512x1xi32>
    tpu.vector_store %arg3[%swap3A_144, %swap3A_145], %scan3A_142#1 {strides = array<i32>} : memref<512x32xi32, #tpu.memory_space<vmem>>, vector<512x1xi32>,
    %broadcast_in_dim3A_147 = arith.constant 3.000000e+38 : f32
    %broadcast_in_dim3A_148 = vector.broadcast %broadcast_in_dim3A_147 : f32 to vector<512x1xf32>
    %broadcast_in_dim3A_149 = arith.constant 1073741824 : i32
    %broadcast_in_dim3A_150 = vector.broadcast %broadcast_in_dim3A_149 : i32 to vector<512x1xi32>
    %scan3A_151 = arith.constant 0 : i32
    %scan3A_152 = arith.constant 10 : i32
    %scan3A_153 = arith.addi %scan3A_151, %scan3A_152 : i32
    %scan3A_154 = arith.constant 1 : i32
    %scan3A_155:2 = scf.for %scan3A_433 = %scan3A_151 to %scan3A_153 step %scan3A_154 iter_args(%scan3A_434 = %broadcast_in_dim3A_148, %scan3A_435 = %broadcast_in_dim3A_150) -> (vector<512x1xf32>, vector<512x1xi32>)  : i32 {
      %mul3A_436 = arith.constant 1024 : i32
      %mul3A_437 = arith.muli %scan3A_433, %mul3A_436 : i32
      %get3A_438 = arith.constant 0 : index
      %get3A_439 = arith.index_cast %mul3A_437 : i32 to index
      %get3A_440 = vector.load %arg4[%get3A_438, %get3A_439] : memref<512x10240xf32, #tpu.memory_space<vmem>>, vector<512x1024xf32>
      %iota3A = tpu.iota {dimensions = array<i32: 1>} : vector<512x1024xi32>
      %mul3A_441 = arith.constant 1024 : i32
      %mul3A_442 = arith.muli %scan3A_433, %mul3A_441 : i32
      %add3A_443 = vector.broadcast %mul3A_442 : i32 to vector<512x1024xi32>
      %add3A_444 = arith.addi %iota3A, %add3A_443 : vector<512x1024xi32>
      %gt3A = vector.broadcast %scan3A_142#0 : vector<512x1xf32> to vector<512x1024xf32>
      %gt3A_445 = arith.cmpf ogt, %get3A_440, %gt3A : vector<512x1024xf32>
      %eq3A = vector.broadcast %scan3A_142#0 : vector<512x1xf32> to vector<512x1024xf32>
      %eq3A_446 = arith.cmpf oeq, %get3A_440, %eq3A : vector<512x1024xf32>
      %gt3A_447 = vector.broadcast %scan3A_142#1 : vector<512x1xi32> to vector<512x1024xi32>
      %gt3A_448 = arith.cmpi sgt, %add3A_444, %gt3A_447 : vector<512x1024xi32>
      %and3A = arith.andi %eq3A_446, %gt3A_448 : vector<512x1024xi1>
      %or3A = arith.ori %gt3A_445, %and3A : vector<512x1024xi1>
      %jit3A = arith.constant 3.000000e+38 : f32
      %broadcast_in_dim3A_449 = vector.broadcast %jit3A : f32 to vector<512x1024xf32>
      %select_n3A = arith.select %or3A, %get3A_440, %broadcast_in_dim3A_449 : vector<512x1024xi1>, vector<512x1024xf32>
      %reduce_min3A = arith.constant dense<0x7F800000> : vector<512xf32>
      %reduce_min3A_450 = vector.multi_reduction <minimumf>, %select_n3A, %reduce_min3A [1] : vector<512x1024xf32> to vector<512xf32>
      %broadcast_in_dim3A_451 = vector.shape_cast %reduce_min3A_450 : vector<512xf32> to vector<512x1xf32>
      %eq3A_452 = vector.broadcast %broadcast_in_dim3A_451 : vector<512x1xf32> to vector<512x1024xf32>
      %eq3A_453 = arith.cmpf oeq, %select_n3A, %eq3A_452 : vector<512x1024xf32>
      %jit3A_454 = arith.constant 1073741824 : i32
      %broadcast_in_dim3A_455 = vector.broadcast %jit3A_454 : i32 to vector<512x1024xi32>
      %select_n3A_456 = arith.select %eq3A_453, %add3A_444, %broadcast_in_dim3A_455 : vector<512x1024xi1>, vector<512x1024xi32>
      %reduce_min3A_457 = arith.constant dense<2147483647> : vector<512xi32>
      %reduce_min3A_458 = vector.multi_reduction <minsi>, %select_n3A_456, %reduce_min3A_457 [1] : vector<512x1024xi32> to vector<512xi32>
      %broadcast_in_dim3A_459 = vector.shape_cast %reduce_min3A_458 : vector<512xi32> to vector<512x1xi32>
      %lt3A = arith.cmpf olt, %broadcast_in_dim3A_451, %scan3A_434 : vector<512x1xf32>
      %eq3A_460 = arith.cmpf oeq, %broadcast_in_dim3A_451, %scan3A_434 : vector<512x1xf32>
      %lt3A_461 = arith.cmpi slt, %broadcast_in_dim3A_459, %scan3A_435 : vector<512x1xi32>
      %and3A_462 = arith.andi %eq3A_460, %lt3A_461 : vector<512x1xi1>
      %or3A_463 = arith.ori %lt3A, %and3A_462 : vector<512x1xi1>
      %select_n3A_464 = arith.select %or3A_463, %broadcast_in_dim3A_451, %scan3A_434 : vector<512x1xi1>, vector<512x1xf32>
      %select_n3A_465 = arith.select %or3A_463, %broadcast_in_dim3A_459, %scan3A_435 : vector<512x1xi1>, vector<512x1xi32>
      scf.yield %select_n3A_464, %select_n3A_465 : vector<512x1xf32>, vector<512x1xi32>
    }
    %scan3A_156 = arith.constant 10 : i32
    %swap3A_157 = arith.constant 0 : index
    %swap3A_158 = arith.constant 10 : index
    %swap3A_159 = vector.load %arg3[%swap3A_157, %swap3A_158] : memref<512x32xi32, #tpu.memory_space<vmem>>, vector<512x1xi32>
    tpu.vector_store %arg3[%swap3A_157, %swap3A_158], %scan3A_155#1 {strides = array<i32>} : memref<512x32xi32, #tpu.memory_space<vmem>>, vector<512x1xi32>,
    %broadcast_in_dim3A_160 = arith.constant 3.000000e+38 : f32
    %broadcast_in_dim3A_161 = vector.broadcast %broadcast_in_dim3A_160 : f32 to vector<512x1xf32>
    %broadcast_in_dim3A_162 = arith.constant 1073741824 : i32
    %broadcast_in_dim3A_163 = vector.broadcast %broadcast_in_dim3A_162 : i32 to vector<512x1xi32>
    %scan3A_164 = arith.constant 0 : i32
    %scan3A_165 = arith.constant 10 : i32
    %scan3A_166 = arith.addi %scan3A_164, %scan3A_165 : i32
    %scan3A_167 = arith.constant 1 : i32
    %scan3A_168:2 = scf.for %scan3A_433 = %scan3A_164 to %scan3A_166 step %scan3A_167 iter_args(%scan3A_434 = %broadcast_in_dim3A_161, %scan3A_435 = %broadcast_in_dim3A_163) -> (vector<512x1xf32>, vector<512x1xi32>)  : i32 {
      %mul3A_436 = arith.constant 1024 : i32
      %mul3A_437 = arith.muli %scan3A_433, %mul3A_436 : i32
      %get3A_438 = arith.constant 0 : index
      %get3A_439 = arith.index_cast %mul3A_437 : i32 to index
      %get3A_440 = vector.load %arg4[%get3A_438, %get3A_439] : memref<512x10240xf32, #tpu.memory_space<vmem>>, vector<512x1024xf32>
      %iota3A = tpu.iota {dimensions = array<i32: 1>} : vector<512x1024xi32>
      %mul3A_441 = arith.constant 1024 : i32
      %mul3A_442 = arith.muli %scan3A_433, %mul3A_441 : i32
      %add3A_443 = vector.broadcast %mul3A_442 : i32 to vector<512x1024xi32>
      %add3A_444 = arith.addi %iota3A, %add3A_443 : vector<512x1024xi32>
      %gt3A = vector.broadcast %scan3A_155#0 : vector<512x1xf32> to vector<512x1024xf32>
      %gt3A_445 = arith.cmpf ogt, %get3A_440, %gt3A : vector<512x1024xf32>
      %eq3A = vector.broadcast %scan3A_155#0 : vector<512x1xf32> to vector<512x1024xf32>
      %eq3A_446 = arith.cmpf oeq, %get3A_440, %eq3A : vector<512x1024xf32>
      %gt3A_447 = vector.broadcast %scan3A_155#1 : vector<512x1xi32> to vector<512x1024xi32>
      %gt3A_448 = arith.cmpi sgt, %add3A_444, %gt3A_447 : vector<512x1024xi32>
      %and3A = arith.andi %eq3A_446, %gt3A_448 : vector<512x1024xi1>
      %or3A = arith.ori %gt3A_445, %and3A : vector<512x1024xi1>
      %jit3A = arith.constant 3.000000e+38 : f32
      %broadcast_in_dim3A_449 = vector.broadcast %jit3A : f32 to vector<512x1024xf32>
      %select_n3A = arith.select %or3A, %get3A_440, %broadcast_in_dim3A_449 : vector<512x1024xi1>, vector<512x1024xf32>
      %reduce_min3A = arith.constant dense<0x7F800000> : vector<512xf32>
      %reduce_min3A_450 = vector.multi_reduction <minimumf>, %select_n3A, %reduce_min3A [1] : vector<512x1024xf32> to vector<512xf32>
      %broadcast_in_dim3A_451 = vector.shape_cast %reduce_min3A_450 : vector<512xf32> to vector<512x1xf32>
      %eq3A_452 = vector.broadcast %broadcast_in_dim3A_451 : vector<512x1xf32> to vector<512x1024xf32>
      %eq3A_453 = arith.cmpf oeq, %select_n3A, %eq3A_452 : vector<512x1024xf32>
      %jit3A_454 = arith.constant 1073741824 : i32
      %broadcast_in_dim3A_455 = vector.broadcast %jit3A_454 : i32 to vector<512x1024xi32>
      %select_n3A_456 = arith.select %eq3A_453, %add3A_444, %broadcast_in_dim3A_455 : vector<512x1024xi1>, vector<512x1024xi32>
      %reduce_min3A_457 = arith.constant dense<2147483647> : vector<512xi32>
      %reduce_min3A_458 = vector.multi_reduction <minsi>, %select_n3A_456, %reduce_min3A_457 [1] : vector<512x1024xi32> to vector<512xi32>
      %broadcast_in_dim3A_459 = vector.shape_cast %reduce_min3A_458 : vector<512xi32> to vector<512x1xi32>
      %lt3A = arith.cmpf olt, %broadcast_in_dim3A_451, %scan3A_434 : vector<512x1xf32>
      %eq3A_460 = arith.cmpf oeq, %broadcast_in_dim3A_451, %scan3A_434 : vector<512x1xf32>
      %lt3A_461 = arith.cmpi slt, %broadcast_in_dim3A_459, %scan3A_435 : vector<512x1xi32>
      %and3A_462 = arith.andi %eq3A_460, %lt3A_461 : vector<512x1xi1>
      %or3A_463 = arith.ori %lt3A, %and3A_462 : vector<512x1xi1>
      %select_n3A_464 = arith.select %or3A_463, %broadcast_in_dim3A_451, %scan3A_434 : vector<512x1xi1>, vector<512x1xf32>
      %select_n3A_465 = arith.select %or3A_463, %broadcast_in_dim3A_459, %scan3A_435 : vector<512x1xi1>, vector<512x1xi32>
      scf.yield %select_n3A_464, %select_n3A_465 : vector<512x1xf32>, vector<512x1xi32>
    }
    %scan3A_169 = arith.constant 10 : i32
    %swap3A_170 = arith.constant 0 : index
    %swap3A_171 = arith.constant 11 : index
    %swap3A_172 = vector.load %arg3[%swap3A_170, %swap3A_171] : memref<512x32xi32, #tpu.memory_space<vmem>>, vector<512x1xi32>
    tpu.vector_store %arg3[%swap3A_170, %swap3A_171], %scan3A_168#1 {strides = array<i32>} : memref<512x32xi32, #tpu.memory_space<vmem>>, vector<512x1xi32>,
    %broadcast_in_dim3A_173 = arith.constant 3.000000e+38 : f32
    %broadcast_in_dim3A_174 = vector.broadcast %broadcast_in_dim3A_173 : f32 to vector<512x1xf32>
    %broadcast_in_dim3A_175 = arith.constant 1073741824 : i32
    %broadcast_in_dim3A_176 = vector.broadcast %broadcast_in_dim3A_175 : i32 to vector<512x1xi32>
    %scan3A_177 = arith.constant 0 : i32
    %scan3A_178 = arith.constant 10 : i32
    %scan3A_179 = arith.addi %scan3A_177, %scan3A_178 : i32
    %scan3A_180 = arith.constant 1 : i32
    %scan3A_181:2 = scf.for %scan3A_433 = %scan3A_177 to %scan3A_179 step %scan3A_180 iter_args(%scan3A_434 = %broadcast_in_dim3A_174, %scan3A_435 = %broadcast_in_dim3A_176) -> (vector<512x1xf32>, vector<512x1xi32>)  : i32 {
      %mul3A_436 = arith.constant 1024 : i32
      %mul3A_437 = arith.muli %scan3A_433, %mul3A_436 : i32
      %get3A_438 = arith.constant 0 : index
      %get3A_439 = arith.index_cast %mul3A_437 : i32 to index
      %get3A_440 = vector.load %arg4[%get3A_438, %get3A_439] : memref<512x10240xf32, #tpu.memory_space<vmem>>, vector<512x1024xf32>
      %iota3A = tpu.iota {dimensions = array<i32: 1>} : vector<512x1024xi32>
      %mul3A_441 = arith.constant 1024 : i32
      %mul3A_442 = arith.muli %scan3A_433, %mul3A_441 : i32
      %add3A_443 = vector.broadcast %mul3A_442 : i32 to vector<512x1024xi32>
      %add3A_444 = arith.addi %iota3A, %add3A_443 : vector<512x1024xi32>
      %gt3A = vector.broadcast %scan3A_168#0 : vector<512x1xf32> to vector<512x1024xf32>
      %gt3A_445 = arith.cmpf ogt, %get3A_440, %gt3A : vector<512x1024xf32>
      %eq3A = vector.broadcast %scan3A_168#0 : vector<512x1xf32> to vector<512x1024xf32>
      %eq3A_446 = arith.cmpf oeq, %get3A_440, %eq3A : vector<512x1024xf32>
      %gt3A_447 = vector.broadcast %scan3A_168#1 : vector<512x1xi32> to vector<512x1024xi32>
      %gt3A_448 = arith.cmpi sgt, %add3A_444, %gt3A_447 : vector<512x1024xi32>
      %and3A = arith.andi %eq3A_446, %gt3A_448 : vector<512x1024xi1>
      %or3A = arith.ori %gt3A_445, %and3A : vector<512x1024xi1>
      %jit3A = arith.constant 3.000000e+38 : f32
      %broadcast_in_dim3A_449 = vector.broadcast %jit3A : f32 to vector<512x1024xf32>
      %select_n3A = arith.select %or3A, %get3A_440, %broadcast_in_dim3A_449 : vector<512x1024xi1>, vector<512x1024xf32>
      %reduce_min3A = arith.constant dense<0x7F800000> : vector<512xf32>
      %reduce_min3A_450 = vector.multi_reduction <minimumf>, %select_n3A, %reduce_min3A [1] : vector<512x1024xf32> to vector<512xf32>
      %broadcast_in_dim3A_451 = vector.shape_cast %reduce_min3A_450 : vector<512xf32> to vector<512x1xf32>
      %eq3A_452 = vector.broadcast %broadcast_in_dim3A_451 : vector<512x1xf32> to vector<512x1024xf32>
      %eq3A_453 = arith.cmpf oeq, %select_n3A, %eq3A_452 : vector<512x1024xf32>
      %jit3A_454 = arith.constant 1073741824 : i32
      %broadcast_in_dim3A_455 = vector.broadcast %jit3A_454 : i32 to vector<512x1024xi32>
      %select_n3A_456 = arith.select %eq3A_453, %add3A_444, %broadcast_in_dim3A_455 : vector<512x1024xi1>, vector<512x1024xi32>
      %reduce_min3A_457 = arith.constant dense<2147483647> : vector<512xi32>
      %reduce_min3A_458 = vector.multi_reduction <minsi>, %select_n3A_456, %reduce_min3A_457 [1] : vector<512x1024xi32> to vector<512xi32>
      %broadcast_in_dim3A_459 = vector.shape_cast %reduce_min3A_458 : vector<512xi32> to vector<512x1xi32>
      %lt3A = arith.cmpf olt, %broadcast_in_dim3A_451, %scan3A_434 : vector<512x1xf32>
      %eq3A_460 = arith.cmpf oeq, %broadcast_in_dim3A_451, %scan3A_434 : vector<512x1xf32>
      %lt3A_461 = arith.cmpi slt, %broadcast_in_dim3A_459, %scan3A_435 : vector<512x1xi32>
      %and3A_462 = arith.andi %eq3A_460, %lt3A_461 : vector<512x1xi1>
      %or3A_463 = arith.ori %lt3A, %and3A_462 : vector<512x1xi1>
      %select_n3A_464 = arith.select %or3A_463, %broadcast_in_dim3A_451, %scan3A_434 : vector<512x1xi1>, vector<512x1xf32>
      %select_n3A_465 = arith.select %or3A_463, %broadcast_in_dim3A_459, %scan3A_435 : vector<512x1xi1>, vector<512x1xi32>
      scf.yield %select_n3A_464, %select_n3A_465 : vector<512x1xf32>, vector<512x1xi32>
    }
    %scan3A_182 = arith.constant 10 : i32
    %swap3A_183 = arith.constant 0 : index
    %swap3A_184 = arith.constant 12 : index
    %swap3A_185 = vector.load %arg3[%swap3A_183, %swap3A_184] : memref<512x32xi32, #tpu.memory_space<vmem>>, vector<512x1xi32>
    tpu.vector_store %arg3[%swap3A_183, %swap3A_184], %scan3A_181#1 {strides = array<i32>} : memref<512x32xi32, #tpu.memory_space<vmem>>, vector<512x1xi32>,
    %broadcast_in_dim3A_186 = arith.constant 3.000000e+38 : f32
    %broadcast_in_dim3A_187 = vector.broadcast %broadcast_in_dim3A_186 : f32 to vector<512x1xf32>
    %broadcast_in_dim3A_188 = arith.constant 1073741824 : i32
    %broadcast_in_dim3A_189 = vector.broadcast %broadcast_in_dim3A_188 : i32 to vector<512x1xi32>
    %scan3A_190 = arith.constant 0 : i32
    %scan3A_191 = arith.constant 10 : i32
    %scan3A_192 = arith.addi %scan3A_190, %scan3A_191 : i32
    %scan3A_193 = arith.constant 1 : i32
    %scan3A_194:2 = scf.for %scan3A_433 = %scan3A_190 to %scan3A_192 step %scan3A_193 iter_args(%scan3A_434 = %broadcast_in_dim3A_187, %scan3A_435 = %broadcast_in_dim3A_189) -> (vector<512x1xf32>, vector<512x1xi32>)  : i32 {
      %mul3A_436 = arith.constant 1024 : i32
      %mul3A_437 = arith.muli %scan3A_433, %mul3A_436 : i32
      %get3A_438 = arith.constant 0 : index
      %get3A_439 = arith.index_cast %mul3A_437 : i32 to index
      %get3A_440 = vector.load %arg4[%get3A_438, %get3A_439] : memref<512x10240xf32, #tpu.memory_space<vmem>>, vector<512x1024xf32>
      %iota3A = tpu.iota {dimensions = array<i32: 1>} : vector<512x1024xi32>
      %mul3A_441 = arith.constant 1024 : i32
      %mul3A_442 = arith.muli %scan3A_433, %mul3A_441 : i32
      %add3A_443 = vector.broadcast %mul3A_442 : i32 to vector<512x1024xi32>
      %add3A_444 = arith.addi %iota3A, %add3A_443 : vector<512x1024xi32>
      %gt3A = vector.broadcast %scan3A_181#0 : vector<512x1xf32> to vector<512x1024xf32>
      %gt3A_445 = arith.cmpf ogt, %get3A_440, %gt3A : vector<512x1024xf32>
      %eq3A = vector.broadcast %scan3A_181#0 : vector<512x1xf32> to vector<512x1024xf32>
      %eq3A_446 = arith.cmpf oeq, %get3A_440, %eq3A : vector<512x1024xf32>
      %gt3A_447 = vector.broadcast %scan3A_181#1 : vector<512x1xi32> to vector<512x1024xi32>
      %gt3A_448 = arith.cmpi sgt, %add3A_444, %gt3A_447 : vector<512x1024xi32>
      %and3A = arith.andi %eq3A_446, %gt3A_448 : vector<512x1024xi1>
      %or3A = arith.ori %gt3A_445, %and3A : vector<512x1024xi1>
      %jit3A = arith.constant 3.000000e+38 : f32
      %broadcast_in_dim3A_449 = vector.broadcast %jit3A : f32 to vector<512x1024xf32>
      %select_n3A = arith.select %or3A, %get3A_440, %broadcast_in_dim3A_449 : vector<512x1024xi1>, vector<512x1024xf32>
      %reduce_min3A = arith.constant dense<0x7F800000> : vector<512xf32>
      %reduce_min3A_450 = vector.multi_reduction <minimumf>, %select_n3A, %reduce_min3A [1] : vector<512x1024xf32> to vector<512xf32>
      %broadcast_in_dim3A_451 = vector.shape_cast %reduce_min3A_450 : vector<512xf32> to vector<512x1xf32>
      %eq3A_452 = vector.broadcast %broadcast_in_dim3A_451 : vector<512x1xf32> to vector<512x1024xf32>
      %eq3A_453 = arith.cmpf oeq, %select_n3A, %eq3A_452 : vector<512x1024xf32>
      %jit3A_454 = arith.constant 1073741824 : i32
      %broadcast_in_dim3A_455 = vector.broadcast %jit3A_454 : i32 to vector<512x1024xi32>
      %select_n3A_456 = arith.select %eq3A_453, %add3A_444, %broadcast_in_dim3A_455 : vector<512x1024xi1>, vector<512x1024xi32>
      %reduce_min3A_457 = arith.constant dense<2147483647> : vector<512xi32>
      %reduce_min3A_458 = vector.multi_reduction <minsi>, %select_n3A_456, %reduce_min3A_457 [1] : vector<512x1024xi32> to vector<512xi32>
      %broadcast_in_dim3A_459 = vector.shape_cast %reduce_min3A_458 : vector<512xi32> to vector<512x1xi32>
      %lt3A = arith.cmpf olt, %broadcast_in_dim3A_451, %scan3A_434 : vector<512x1xf32>
      %eq3A_460 = arith.cmpf oeq, %broadcast_in_dim3A_451, %scan3A_434 : vector<512x1xf32>
      %lt3A_461 = arith.cmpi slt, %broadcast_in_dim3A_459, %scan3A_435 : vector<512x1xi32>
      %and3A_462 = arith.andi %eq3A_460, %lt3A_461 : vector<512x1xi1>
      %or3A_463 = arith.ori %lt3A, %and3A_462 : vector<512x1xi1>
      %select_n3A_464 = arith.select %or3A_463, %broadcast_in_dim3A_451, %scan3A_434 : vector<512x1xi1>, vector<512x1xf32>
      %select_n3A_465 = arith.select %or3A_463, %broadcast_in_dim3A_459, %scan3A_435 : vector<512x1xi1>, vector<512x1xi32>
      scf.yield %select_n3A_464, %select_n3A_465 : vector<512x1xf32>, vector<512x1xi32>
    }
    %scan3A_195 = arith.constant 10 : i32
    %swap3A_196 = arith.constant 0 : index
    %swap3A_197 = arith.constant 13 : index
    %swap3A_198 = vector.load %arg3[%swap3A_196, %swap3A_197] : memref<512x32xi32, #tpu.memory_space<vmem>>, vector<512x1xi32>
    tpu.vector_store %arg3[%swap3A_196, %swap3A_197], %scan3A_194#1 {strides = array<i32>} : memref<512x32xi32, #tpu.memory_space<vmem>>, vector<512x1xi32>,
    %broadcast_in_dim3A_199 = arith.constant 3.000000e+38 : f32
    %broadcast_in_dim3A_200 = vector.broadcast %broadcast_in_dim3A_199 : f32 to vector<512x1xf32>
    %broadcast_in_dim3A_201 = arith.constant 1073741824 : i32
    %broadcast_in_dim3A_202 = vector.broadcast %broadcast_in_dim3A_201 : i32 to vector<512x1xi32>
    %scan3A_203 = arith.constant 0 : i32
    %scan3A_204 = arith.constant 10 : i32
    %scan3A_205 = arith.addi %scan3A_203, %scan3A_204 : i32
    %scan3A_206 = arith.constant 1 : i32
    %scan3A_207:2 = scf.for %scan3A_433 = %scan3A_203 to %scan3A_205 step %scan3A_206 iter_args(%scan3A_434 = %broadcast_in_dim3A_200, %scan3A_435 = %broadcast_in_dim3A_202) -> (vector<512x1xf32>, vector<512x1xi32>)  : i32 {
      %mul3A_436 = arith.constant 1024 : i32
      %mul3A_437 = arith.muli %scan3A_433, %mul3A_436 : i32
      %get3A_438 = arith.constant 0 : index
      %get3A_439 = arith.index_cast %mul3A_437 : i32 to index
      %get3A_440 = vector.load %arg4[%get3A_438, %get3A_439] : memref<512x10240xf32, #tpu.memory_space<vmem>>, vector<512x1024xf32>
      %iota3A = tpu.iota {dimensions = array<i32: 1>} : vector<512x1024xi32>
      %mul3A_441 = arith.constant 1024 : i32
      %mul3A_442 = arith.muli %scan3A_433, %mul3A_441 : i32
      %add3A_443 = vector.broadcast %mul3A_442 : i32 to vector<512x1024xi32>
      %add3A_444 = arith.addi %iota3A, %add3A_443 : vector<512x1024xi32>
      %gt3A = vector.broadcast %scan3A_194#0 : vector<512x1xf32> to vector<512x1024xf32>
      %gt3A_445 = arith.cmpf ogt, %get3A_440, %gt3A : vector<512x1024xf32>
      %eq3A = vector.broadcast %scan3A_194#0 : vector<512x1xf32> to vector<512x1024xf32>
      %eq3A_446 = arith.cmpf oeq, %get3A_440, %eq3A : vector<512x1024xf32>
      %gt3A_447 = vector.broadcast %scan3A_194#1 : vector<512x1xi32> to vector<512x1024xi32>
      %gt3A_448 = arith.cmpi sgt, %add3A_444, %gt3A_447 : vector<512x1024xi32>
      %and3A = arith.andi %eq3A_446, %gt3A_448 : vector<512x1024xi1>
      %or3A = arith.ori %gt3A_445, %and3A : vector<512x1024xi1>
      %jit3A = arith.constant 3.000000e+38 : f32
      %broadcast_in_dim3A_449 = vector.broadcast %jit3A : f32 to vector<512x1024xf32>
      %select_n3A = arith.select %or3A, %get3A_440, %broadcast_in_dim3A_449 : vector<512x1024xi1>, vector<512x1024xf32>
      %reduce_min3A = arith.constant dense<0x7F800000> : vector<512xf32>
      %reduce_min3A_450 = vector.multi_reduction <minimumf>, %select_n3A, %reduce_min3A [1] : vector<512x1024xf32> to vector<512xf32>
      %broadcast_in_dim3A_451 = vector.shape_cast %reduce_min3A_450 : vector<512xf32> to vector<512x1xf32>
      %eq3A_452 = vector.broadcast %broadcast_in_dim3A_451 : vector<512x1xf32> to vector<512x1024xf32>
      %eq3A_453 = arith.cmpf oeq, %select_n3A, %eq3A_452 : vector<512x1024xf32>
      %jit3A_454 = arith.constant 1073741824 : i32
      %broadcast_in_dim3A_455 = vector.broadcast %jit3A_454 : i32 to vector<512x1024xi32>
      %select_n3A_456 = arith.select %eq3A_453, %add3A_444, %broadcast_in_dim3A_455 : vector<512x1024xi1>, vector<512x1024xi32>
      %reduce_min3A_457 = arith.constant dense<2147483647> : vector<512xi32>
      %reduce_min3A_458 = vector.multi_reduction <minsi>, %select_n3A_456, %reduce_min3A_457 [1] : vector<512x1024xi32> to vector<512xi32>
      %broadcast_in_dim3A_459 = vector.shape_cast %reduce_min3A_458 : vector<512xi32> to vector<512x1xi32>
      %lt3A = arith.cmpf olt, %broadcast_in_dim3A_451, %scan3A_434 : vector<512x1xf32>
      %eq3A_460 = arith.cmpf oeq, %broadcast_in_dim3A_451, %scan3A_434 : vector<512x1xf32>
      %lt3A_461 = arith.cmpi slt, %broadcast_in_dim3A_459, %scan3A_435 : vector<512x1xi32>
      %and3A_462 = arith.andi %eq3A_460, %lt3A_461 : vector<512x1xi1>
      %or3A_463 = arith.ori %lt3A, %and3A_462 : vector<512x1xi1>
      %select_n3A_464 = arith.select %or3A_463, %broadcast_in_dim3A_451, %scan3A_434 : vector<512x1xi1>, vector<512x1xf32>
      %select_n3A_465 = arith.select %or3A_463, %broadcast_in_dim3A_459, %scan3A_435 : vector<512x1xi1>, vector<512x1xi32>
      scf.yield %select_n3A_464, %select_n3A_465 : vector<512x1xf32>, vector<512x1xi32>
    }
    %scan3A_208 = arith.constant 10 : i32
    %swap3A_209 = arith.constant 0 : index
    %swap3A_210 = arith.constant 14 : index
    %swap3A_211 = vector.load %arg3[%swap3A_209, %swap3A_210] : memref<512x32xi32, #tpu.memory_space<vmem>>, vector<512x1xi32>
    tpu.vector_store %arg3[%swap3A_209, %swap3A_210], %scan3A_207#1 {strides = array<i32>} : memref<512x32xi32, #tpu.memory_space<vmem>>, vector<512x1xi32>,
    %broadcast_in_dim3A_212 = arith.constant 3.000000e+38 : f32
    %broadcast_in_dim3A_213 = vector.broadcast %broadcast_in_dim3A_212 : f32 to vector<512x1xf32>
    %broadcast_in_dim3A_214 = arith.constant 1073741824 : i32
    %broadcast_in_dim3A_215 = vector.broadcast %broadcast_in_dim3A_214 : i32 to vector<512x1xi32>
    %scan3A_216 = arith.constant 0 : i32
    %scan3A_217 = arith.constant 10 : i32
    %scan3A_218 = arith.addi %scan3A_216, %scan3A_217 : i32
    %scan3A_219 = arith.constant 1 : i32
    %scan3A_220:2 = scf.for %scan3A_433 = %scan3A_216 to %scan3A_218 step %scan3A_219 iter_args(%scan3A_434 = %broadcast_in_dim3A_213, %scan3A_435 = %broadcast_in_dim3A_215) -> (vector<512x1xf32>, vector<512x1xi32>)  : i32 {
      %mul3A_436 = arith.constant 1024 : i32
      %mul3A_437 = arith.muli %scan3A_433, %mul3A_436 : i32
      %get3A_438 = arith.constant 0 : index
      %get3A_439 = arith.index_cast %mul3A_437 : i32 to index
      %get3A_440 = vector.load %arg4[%get3A_438, %get3A_439] : memref<512x10240xf32, #tpu.memory_space<vmem>>, vector<512x1024xf32>
      %iota3A = tpu.iota {dimensions = array<i32: 1>} : vector<512x1024xi32>
      %mul3A_441 = arith.constant 1024 : i32
      %mul3A_442 = arith.muli %scan3A_433, %mul3A_441 : i32
      %add3A_443 = vector.broadcast %mul3A_442 : i32 to vector<512x1024xi32>
      %add3A_444 = arith.addi %iota3A, %add3A_443 : vector<512x1024xi32>
      %gt3A = vector.broadcast %scan3A_207#0 : vector<512x1xf32> to vector<512x1024xf32>
      %gt3A_445 = arith.cmpf ogt, %get3A_440, %gt3A : vector<512x1024xf32>
      %eq3A = vector.broadcast %scan3A_207#0 : vector<512x1xf32> to vector<512x1024xf32>
      %eq3A_446 = arith.cmpf oeq, %get3A_440, %eq3A : vector<512x1024xf32>
      %gt3A_447 = vector.broadcast %scan3A_207#1 : vector<512x1xi32> to vector<512x1024xi32>
      %gt3A_448 = arith.cmpi sgt, %add3A_444, %gt3A_447 : vector<512x1024xi32>
      %and3A = arith.andi %eq3A_446, %gt3A_448 : vector<512x1024xi1>
      %or3A = arith.ori %gt3A_445, %and3A : vector<512x1024xi1>
      %jit3A = arith.constant 3.000000e+38 : f32
      %broadcast_in_dim3A_449 = vector.broadcast %jit3A : f32 to vector<512x1024xf32>
      %select_n3A = arith.select %or3A, %get3A_440, %broadcast_in_dim3A_449 : vector<512x1024xi1>, vector<512x1024xf32>
      %reduce_min3A = arith.constant dense<0x7F800000> : vector<512xf32>
      %reduce_min3A_450 = vector.multi_reduction <minimumf>, %select_n3A, %reduce_min3A [1] : vector<512x1024xf32> to vector<512xf32>
      %broadcast_in_dim3A_451 = vector.shape_cast %reduce_min3A_450 : vector<512xf32> to vector<512x1xf32>
      %eq3A_452 = vector.broadcast %broadcast_in_dim3A_451 : vector<512x1xf32> to vector<512x1024xf32>
      %eq3A_453 = arith.cmpf oeq, %select_n3A, %eq3A_452 : vector<512x1024xf32>
      %jit3A_454 = arith.constant 1073741824 : i32
      %broadcast_in_dim3A_455 = vector.broadcast %jit3A_454 : i32 to vector<512x1024xi32>
      %select_n3A_456 = arith.select %eq3A_453, %add3A_444, %broadcast_in_dim3A_455 : vector<512x1024xi1>, vector<512x1024xi32>
      %reduce_min3A_457 = arith.constant dense<2147483647> : vector<512xi32>
      %reduce_min3A_458 = vector.multi_reduction <minsi>, %select_n3A_456, %reduce_min3A_457 [1] : vector<512x1024xi32> to vector<512xi32>
      %broadcast_in_dim3A_459 = vector.shape_cast %reduce_min3A_458 : vector<512xi32> to vector<512x1xi32>
      %lt3A = arith.cmpf olt, %broadcast_in_dim3A_451, %scan3A_434 : vector<512x1xf32>
      %eq3A_460 = arith.cmpf oeq, %broadcast_in_dim3A_451, %scan3A_434 : vector<512x1xf32>
      %lt3A_461 = arith.cmpi slt, %broadcast_in_dim3A_459, %scan3A_435 : vector<512x1xi32>
      %and3A_462 = arith.andi %eq3A_460, %lt3A_461 : vector<512x1xi1>
      %or3A_463 = arith.ori %lt3A, %and3A_462 : vector<512x1xi1>
      %select_n3A_464 = arith.select %or3A_463, %broadcast_in_dim3A_451, %scan3A_434 : vector<512x1xi1>, vector<512x1xf32>
      %select_n3A_465 = arith.select %or3A_463, %broadcast_in_dim3A_459, %scan3A_435 : vector<512x1xi1>, vector<512x1xi32>
      scf.yield %select_n3A_464, %select_n3A_465 : vector<512x1xf32>, vector<512x1xi32>
    }
    %scan3A_221 = arith.constant 10 : i32
    %swap3A_222 = arith.constant 0 : index
    %swap3A_223 = arith.constant 15 : index
    %swap3A_224 = vector.load %arg3[%swap3A_222, %swap3A_223] : memref<512x32xi32, #tpu.memory_space<vmem>>, vector<512x1xi32>
    tpu.vector_store %arg3[%swap3A_222, %swap3A_223], %scan3A_220#1 {strides = array<i32>} : memref<512x32xi32, #tpu.memory_space<vmem>>, vector<512x1xi32>,
    %broadcast_in_dim3A_225 = arith.constant 3.000000e+38 : f32
    %broadcast_in_dim3A_226 = vector.broadcast %broadcast_in_dim3A_225 : f32 to vector<512x1xf32>
    %broadcast_in_dim3A_227 = arith.constant 1073741824 : i32
    %broadcast_in_dim3A_228 = vector.broadcast %broadcast_in_dim3A_227 : i32 to vector<512x1xi32>
    %scan3A_229 = arith.constant 0 : i32
    %scan3A_230 = arith.constant 10 : i32
    %scan3A_231 = arith.addi %scan3A_229, %scan3A_230 : i32
    %scan3A_232 = arith.constant 1 : i32
    %scan3A_233:2 = scf.for %scan3A_433 = %scan3A_229 to %scan3A_231 step %scan3A_232 iter_args(%scan3A_434 = %broadcast_in_dim3A_226, %scan3A_435 = %broadcast_in_dim3A_228) -> (vector<512x1xf32>, vector<512x1xi32>)  : i32 {
      %mul3A_436 = arith.constant 1024 : i32
      %mul3A_437 = arith.muli %scan3A_433, %mul3A_436 : i32
      %get3A_438 = arith.constant 0 : index
      %get3A_439 = arith.index_cast %mul3A_437 : i32 to index
      %get3A_440 = vector.load %arg4[%get3A_438, %get3A_439] : memref<512x10240xf32, #tpu.memory_space<vmem>>, vector<512x1024xf32>
      %iota3A = tpu.iota {dimensions = array<i32: 1>} : vector<512x1024xi32>
      %mul3A_441 = arith.constant 1024 : i32
      %mul3A_442 = arith.muli %scan3A_433, %mul3A_441 : i32
      %add3A_443 = vector.broadcast %mul3A_442 : i32 to vector<512x1024xi32>
      %add3A_444 = arith.addi %iota3A, %add3A_443 : vector<512x1024xi32>
      %gt3A = vector.broadcast %scan3A_220#0 : vector<512x1xf32> to vector<512x1024xf32>
      %gt3A_445 = arith.cmpf ogt, %get3A_440, %gt3A : vector<512x1024xf32>
      %eq3A = vector.broadcast %scan3A_220#0 : vector<512x1xf32> to vector<512x1024xf32>
      %eq3A_446 = arith.cmpf oeq, %get3A_440, %eq3A : vector<512x1024xf32>
      %gt3A_447 = vector.broadcast %scan3A_220#1 : vector<512x1xi32> to vector<512x1024xi32>
      %gt3A_448 = arith.cmpi sgt, %add3A_444, %gt3A_447 : vector<512x1024xi32>
      %and3A = arith.andi %eq3A_446, %gt3A_448 : vector<512x1024xi1>
      %or3A = arith.ori %gt3A_445, %and3A : vector<512x1024xi1>
      %jit3A = arith.constant 3.000000e+38 : f32
      %broadcast_in_dim3A_449 = vector.broadcast %jit3A : f32 to vector<512x1024xf32>
      %select_n3A = arith.select %or3A, %get3A_440, %broadcast_in_dim3A_449 : vector<512x1024xi1>, vector<512x1024xf32>
      %reduce_min3A = arith.constant dense<0x7F800000> : vector<512xf32>
      %reduce_min3A_450 = vector.multi_reduction <minimumf>, %select_n3A, %reduce_min3A [1] : vector<512x1024xf32> to vector<512xf32>
      %broadcast_in_dim3A_451 = vector.shape_cast %reduce_min3A_450 : vector<512xf32> to vector<512x1xf32>
      %eq3A_452 = vector.broadcast %broadcast_in_dim3A_451 : vector<512x1xf32> to vector<512x1024xf32>
      %eq3A_453 = arith.cmpf oeq, %select_n3A, %eq3A_452 : vector<512x1024xf32>
      %jit3A_454 = arith.constant 1073741824 : i32
      %broadcast_in_dim3A_455 = vector.broadcast %jit3A_454 : i32 to vector<512x1024xi32>
      %select_n3A_456 = arith.select %eq3A_453, %add3A_444, %broadcast_in_dim3A_455 : vector<512x1024xi1>, vector<512x1024xi32>
      %reduce_min3A_457 = arith.constant dense<2147483647> : vector<512xi32>
      %reduce_min3A_458 = vector.multi_reduction <minsi>, %select_n3A_456, %reduce_min3A_457 [1] : vector<512x1024xi32> to vector<512xi32>
      %broadcast_in_dim3A_459 = vector.shape_cast %reduce_min3A_458 : vector<512xi32> to vector<512x1xi32>
      %lt3A = arith.cmpf olt, %broadcast_in_dim3A_451, %scan3A_434 : vector<512x1xf32>
      %eq3A_460 = arith.cmpf oeq, %broadcast_in_dim3A_451, %scan3A_434 : vector<512x1xf32>
      %lt3A_461 = arith.cmpi slt, %broadcast_in_dim3A_459, %scan3A_435 : vector<512x1xi32>
      %and3A_462 = arith.andi %eq3A_460, %lt3A_461 : vector<512x1xi1>
      %or3A_463 = arith.ori %lt3A, %and3A_462 : vector<512x1xi1>
      %select_n3A_464 = arith.select %or3A_463, %broadcast_in_dim3A_451, %scan3A_434 : vector<512x1xi1>, vector<512x1xf32>
      %select_n3A_465 = arith.select %or3A_463, %broadcast_in_dim3A_459, %scan3A_435 : vector<512x1xi1>, vector<512x1xi32>
      scf.yield %select_n3A_464, %select_n3A_465 : vector<512x1xf32>, vector<512x1xi32>
    }
    %scan3A_234 = arith.constant 10 : i32
    %swap3A_235 = arith.constant 0 : index
    %swap3A_236 = arith.constant 16 : index
    %swap3A_237 = vector.load %arg3[%swap3A_235, %swap3A_236] : memref<512x32xi32, #tpu.memory_space<vmem>>, vector<512x1xi32>
    tpu.vector_store %arg3[%swap3A_235, %swap3A_236], %scan3A_233#1 {strides = array<i32>} : memref<512x32xi32, #tpu.memory_space<vmem>>, vector<512x1xi32>,
    %broadcast_in_dim3A_238 = arith.constant 3.000000e+38 : f32
    %broadcast_in_dim3A_239 = vector.broadcast %broadcast_in_dim3A_238 : f32 to vector<512x1xf32>
    %broadcast_in_dim3A_240 = arith.constant 1073741824 : i32
    %broadcast_in_dim3A_241 = vector.broadcast %broadcast_in_dim3A_240 : i32 to vector<512x1xi32>
    %scan3A_242 = arith.constant 0 : i32
    %scan3A_243 = arith.constant 10 : i32
    %scan3A_244 = arith.addi %scan3A_242, %scan3A_243 : i32
    %scan3A_245 = arith.constant 1 : i32
    %scan3A_246:2 = scf.for %scan3A_433 = %scan3A_242 to %scan3A_244 step %scan3A_245 iter_args(%scan3A_434 = %broadcast_in_dim3A_239, %scan3A_435 = %broadcast_in_dim3A_241) -> (vector<512x1xf32>, vector<512x1xi32>)  : i32 {
      %mul3A_436 = arith.constant 1024 : i32
      %mul3A_437 = arith.muli %scan3A_433, %mul3A_436 : i32
      %get3A_438 = arith.constant 0 : index
      %get3A_439 = arith.index_cast %mul3A_437 : i32 to index
      %get3A_440 = vector.load %arg4[%get3A_438, %get3A_439] : memref<512x10240xf32, #tpu.memory_space<vmem>>, vector<512x1024xf32>
      %iota3A = tpu.iota {dimensions = array<i32: 1>} : vector<512x1024xi32>
      %mul3A_441 = arith.constant 1024 : i32
      %mul3A_442 = arith.muli %scan3A_433, %mul3A_441 : i32
      %add3A_443 = vector.broadcast %mul3A_442 : i32 to vector<512x1024xi32>
      %add3A_444 = arith.addi %iota3A, %add3A_443 : vector<512x1024xi32>
      %gt3A = vector.broadcast %scan3A_233#0 : vector<512x1xf32> to vector<512x1024xf32>
      %gt3A_445 = arith.cmpf ogt, %get3A_440, %gt3A : vector<512x1024xf32>
      %eq3A = vector.broadcast %scan3A_233#0 : vector<512x1xf32> to vector<512x1024xf32>
      %eq3A_446 = arith.cmpf oeq, %get3A_440, %eq3A : vector<512x1024xf32>
      %gt3A_447 = vector.broadcast %scan3A_233#1 : vector<512x1xi32> to vector<512x1024xi32>
      %gt3A_448 = arith.cmpi sgt, %add3A_444, %gt3A_447 : vector<512x1024xi32>
      %and3A = arith.andi %eq3A_446, %gt3A_448 : vector<512x1024xi1>
      %or3A = arith.ori %gt3A_445, %and3A : vector<512x1024xi1>
      %jit3A = arith.constant 3.000000e+38 : f32
      %broadcast_in_dim3A_449 = vector.broadcast %jit3A : f32 to vector<512x1024xf32>
      %select_n3A = arith.select %or3A, %get3A_440, %broadcast_in_dim3A_449 : vector<512x1024xi1>, vector<512x1024xf32>
      %reduce_min3A = arith.constant dense<0x7F800000> : vector<512xf32>
      %reduce_min3A_450 = vector.multi_reduction <minimumf>, %select_n3A, %reduce_min3A [1] : vector<512x1024xf32> to vector<512xf32>
      %broadcast_in_dim3A_451 = vector.shape_cast %reduce_min3A_450 : vector<512xf32> to vector<512x1xf32>
      %eq3A_452 = vector.broadcast %broadcast_in_dim3A_451 : vector<512x1xf32> to vector<512x1024xf32>
      %eq3A_453 = arith.cmpf oeq, %select_n3A, %eq3A_452 : vector<512x1024xf32>
      %jit3A_454 = arith.constant 1073741824 : i32
      %broadcast_in_dim3A_455 = vector.broadcast %jit3A_454 : i32 to vector<512x1024xi32>
      %select_n3A_456 = arith.select %eq3A_453, %add3A_444, %broadcast_in_dim3A_455 : vector<512x1024xi1>, vector<512x1024xi32>
      %reduce_min3A_457 = arith.constant dense<2147483647> : vector<512xi32>
      %reduce_min3A_458 = vector.multi_reduction <minsi>, %select_n3A_456, %reduce_min3A_457 [1] : vector<512x1024xi32> to vector<512xi32>
      %broadcast_in_dim3A_459 = vector.shape_cast %reduce_min3A_458 : vector<512xi32> to vector<512x1xi32>
      %lt3A = arith.cmpf olt, %broadcast_in_dim3A_451, %scan3A_434 : vector<512x1xf32>
      %eq3A_460 = arith.cmpf oeq, %broadcast_in_dim3A_451, %scan3A_434 : vector<512x1xf32>
      %lt3A_461 = arith.cmpi slt, %broadcast_in_dim3A_459, %scan3A_435 : vector<512x1xi32>
      %and3A_462 = arith.andi %eq3A_460, %lt3A_461 : vector<512x1xi1>
      %or3A_463 = arith.ori %lt3A, %and3A_462 : vector<512x1xi1>
      %select_n3A_464 = arith.select %or3A_463, %broadcast_in_dim3A_451, %scan3A_434 : vector<512x1xi1>, vector<512x1xf32>
      %select_n3A_465 = arith.select %or3A_463, %broadcast_in_dim3A_459, %scan3A_435 : vector<512x1xi1>, vector<512x1xi32>
      scf.yield %select_n3A_464, %select_n3A_465 : vector<512x1xf32>, vector<512x1xi32>
    }
    %scan3A_247 = arith.constant 10 : i32
    %swap3A_248 = arith.constant 0 : index
    %swap3A_249 = arith.constant 17 : index
    %swap3A_250 = vector.load %arg3[%swap3A_248, %swap3A_249] : memref<512x32xi32, #tpu.memory_space<vmem>>, vector<512x1xi32>
    tpu.vector_store %arg3[%swap3A_248, %swap3A_249], %scan3A_246#1 {strides = array<i32>} : memref<512x32xi32, #tpu.memory_space<vmem>>, vector<512x1xi32>,
    %broadcast_in_dim3A_251 = arith.constant 3.000000e+38 : f32
    %broadcast_in_dim3A_252 = vector.broadcast %broadcast_in_dim3A_251 : f32 to vector<512x1xf32>
    %broadcast_in_dim3A_253 = arith.constant 1073741824 : i32
    %broadcast_in_dim3A_254 = vector.broadcast %broadcast_in_dim3A_253 : i32 to vector<512x1xi32>
    %scan3A_255 = arith.constant 0 : i32
    %scan3A_256 = arith.constant 10 : i32
    %scan3A_257 = arith.addi %scan3A_255, %scan3A_256 : i32
    %scan3A_258 = arith.constant 1 : i32
    %scan3A_259:2 = scf.for %scan3A_433 = %scan3A_255 to %scan3A_257 step %scan3A_258 iter_args(%scan3A_434 = %broadcast_in_dim3A_252, %scan3A_435 = %broadcast_in_dim3A_254) -> (vector<512x1xf32>, vector<512x1xi32>)  : i32 {
      %mul3A_436 = arith.constant 1024 : i32
      %mul3A_437 = arith.muli %scan3A_433, %mul3A_436 : i32
      %get3A_438 = arith.constant 0 : index
      %get3A_439 = arith.index_cast %mul3A_437 : i32 to index
      %get3A_440 = vector.load %arg4[%get3A_438, %get3A_439] : memref<512x10240xf32, #tpu.memory_space<vmem>>, vector<512x1024xf32>
      %iota3A = tpu.iota {dimensions = array<i32: 1>} : vector<512x1024xi32>
      %mul3A_441 = arith.constant 1024 : i32
      %mul3A_442 = arith.muli %scan3A_433, %mul3A_441 : i32
      %add3A_443 = vector.broadcast %mul3A_442 : i32 to vector<512x1024xi32>
      %add3A_444 = arith.addi %iota3A, %add3A_443 : vector<512x1024xi32>
      %gt3A = vector.broadcast %scan3A_246#0 : vector<512x1xf32> to vector<512x1024xf32>
      %gt3A_445 = arith.cmpf ogt, %get3A_440, %gt3A : vector<512x1024xf32>
      %eq3A = vector.broadcast %scan3A_246#0 : vector<512x1xf32> to vector<512x1024xf32>
      %eq3A_446 = arith.cmpf oeq, %get3A_440, %eq3A : vector<512x1024xf32>
      %gt3A_447 = vector.broadcast %scan3A_246#1 : vector<512x1xi32> to vector<512x1024xi32>
      %gt3A_448 = arith.cmpi sgt, %add3A_444, %gt3A_447 : vector<512x1024xi32>
      %and3A = arith.andi %eq3A_446, %gt3A_448 : vector<512x1024xi1>
      %or3A = arith.ori %gt3A_445, %and3A : vector<512x1024xi1>
      %jit3A = arith.constant 3.000000e+38 : f32
      %broadcast_in_dim3A_449 = vector.broadcast %jit3A : f32 to vector<512x1024xf32>
      %select_n3A = arith.select %or3A, %get3A_440, %broadcast_in_dim3A_449 : vector<512x1024xi1>, vector<512x1024xf32>
      %reduce_min3A = arith.constant dense<0x7F800000> : vector<512xf32>
      %reduce_min3A_450 = vector.multi_reduction <minimumf>, %select_n3A, %reduce_min3A [1] : vector<512x1024xf32> to vector<512xf32>
      %broadcast_in_dim3A_451 = vector.shape_cast %reduce_min3A_450 : vector<512xf32> to vector<512x1xf32>
      %eq3A_452 = vector.broadcast %broadcast_in_dim3A_451 : vector<512x1xf32> to vector<512x1024xf32>
      %eq3A_453 = arith.cmpf oeq, %select_n3A, %eq3A_452 : vector<512x1024xf32>
      %jit3A_454 = arith.constant 1073741824 : i32
      %broadcast_in_dim3A_455 = vector.broadcast %jit3A_454 : i32 to vector<512x1024xi32>
      %select_n3A_456 = arith.select %eq3A_453, %add3A_444, %broadcast_in_dim3A_455 : vector<512x1024xi1>, vector<512x1024xi32>
      %reduce_min3A_457 = arith.constant dense<2147483647> : vector<512xi32>
      %reduce_min3A_458 = vector.multi_reduction <minsi>, %select_n3A_456, %reduce_min3A_457 [1] : vector<512x1024xi32> to vector<512xi32>
      %broadcast_in_dim3A_459 = vector.shape_cast %reduce_min3A_458 : vector<512xi32> to vector<512x1xi32>
      %lt3A = arith.cmpf olt, %broadcast_in_dim3A_451, %scan3A_434 : vector<512x1xf32>
      %eq3A_460 = arith.cmpf oeq, %broadcast_in_dim3A_451, %scan3A_434 : vector<512x1xf32>
      %lt3A_461 = arith.cmpi slt, %broadcast_in_dim3A_459, %scan3A_435 : vector<512x1xi32>
      %and3A_462 = arith.andi %eq3A_460, %lt3A_461 : vector<512x1xi1>
      %or3A_463 = arith.ori %lt3A, %and3A_462 : vector<512x1xi1>
      %select_n3A_464 = arith.select %or3A_463, %broadcast_in_dim3A_451, %scan3A_434 : vector<512x1xi1>, vector<512x1xf32>
      %select_n3A_465 = arith.select %or3A_463, %broadcast_in_dim3A_459, %scan3A_435 : vector<512x1xi1>, vector<512x1xi32>
      scf.yield %select_n3A_464, %select_n3A_465 : vector<512x1xf32>, vector<512x1xi32>
    }
    %scan3A_260 = arith.constant 10 : i32
    %swap3A_261 = arith.constant 0 : index
    %swap3A_262 = arith.constant 18 : index
    %swap3A_263 = vector.load %arg3[%swap3A_261, %swap3A_262] : memref<512x32xi32, #tpu.memory_space<vmem>>, vector<512x1xi32>
    tpu.vector_store %arg3[%swap3A_261, %swap3A_262], %scan3A_259#1 {strides = array<i32>} : memref<512x32xi32, #tpu.memory_space<vmem>>, vector<512x1xi32>,
    %broadcast_in_dim3A_264 = arith.constant 3.000000e+38 : f32
    %broadcast_in_dim3A_265 = vector.broadcast %broadcast_in_dim3A_264 : f32 to vector<512x1xf32>
    %broadcast_in_dim3A_266 = arith.constant 1073741824 : i32
    %broadcast_in_dim3A_267 = vector.broadcast %broadcast_in_dim3A_266 : i32 to vector<512x1xi32>
    %scan3A_268 = arith.constant 0 : i32
    %scan3A_269 = arith.constant 10 : i32
    %scan3A_270 = arith.addi %scan3A_268, %scan3A_269 : i32
    %scan3A_271 = arith.constant 1 : i32
    %scan3A_272:2 = scf.for %scan3A_433 = %scan3A_268 to %scan3A_270 step %scan3A_271 iter_args(%scan3A_434 = %broadcast_in_dim3A_265, %scan3A_435 = %broadcast_in_dim3A_267) -> (vector<512x1xf32>, vector<512x1xi32>)  : i32 {
      %mul3A_436 = arith.constant 1024 : i32
      %mul3A_437 = arith.muli %scan3A_433, %mul3A_436 : i32
      %get3A_438 = arith.constant 0 : index
      %get3A_439 = arith.index_cast %mul3A_437 : i32 to index
      %get3A_440 = vector.load %arg4[%get3A_438, %get3A_439] : memref<512x10240xf32, #tpu.memory_space<vmem>>, vector<512x1024xf32>
      %iota3A = tpu.iota {dimensions = array<i32: 1>} : vector<512x1024xi32>
      %mul3A_441 = arith.constant 1024 : i32
      %mul3A_442 = arith.muli %scan3A_433, %mul3A_441 : i32
      %add3A_443 = vector.broadcast %mul3A_442 : i32 to vector<512x1024xi32>
      %add3A_444 = arith.addi %iota3A, %add3A_443 : vector<512x1024xi32>
      %gt3A = vector.broadcast %scan3A_259#0 : vector<512x1xf32> to vector<512x1024xf32>
      %gt3A_445 = arith.cmpf ogt, %get3A_440, %gt3A : vector<512x1024xf32>
      %eq3A = vector.broadcast %scan3A_259#0 : vector<512x1xf32> to vector<512x1024xf32>
      %eq3A_446 = arith.cmpf oeq, %get3A_440, %eq3A : vector<512x1024xf32>
      %gt3A_447 = vector.broadcast %scan3A_259#1 : vector<512x1xi32> to vector<512x1024xi32>
      %gt3A_448 = arith.cmpi sgt, %add3A_444, %gt3A_447 : vector<512x1024xi32>
      %and3A = arith.andi %eq3A_446, %gt3A_448 : vector<512x1024xi1>
      %or3A = arith.ori %gt3A_445, %and3A : vector<512x1024xi1>
      %jit3A = arith.constant 3.000000e+38 : f32
      %broadcast_in_dim3A_449 = vector.broadcast %jit3A : f32 to vector<512x1024xf32>
      %select_n3A = arith.select %or3A, %get3A_440, %broadcast_in_dim3A_449 : vector<512x1024xi1>, vector<512x1024xf32>
      %reduce_min3A = arith.constant dense<0x7F800000> : vector<512xf32>
      %reduce_min3A_450 = vector.multi_reduction <minimumf>, %select_n3A, %reduce_min3A [1] : vector<512x1024xf32> to vector<512xf32>
      %broadcast_in_dim3A_451 = vector.shape_cast %reduce_min3A_450 : vector<512xf32> to vector<512x1xf32>
      %eq3A_452 = vector.broadcast %broadcast_in_dim3A_451 : vector<512x1xf32> to vector<512x1024xf32>
      %eq3A_453 = arith.cmpf oeq, %select_n3A, %eq3A_452 : vector<512x1024xf32>
      %jit3A_454 = arith.constant 1073741824 : i32
      %broadcast_in_dim3A_455 = vector.broadcast %jit3A_454 : i32 to vector<512x1024xi32>
      %select_n3A_456 = arith.select %eq3A_453, %add3A_444, %broadcast_in_dim3A_455 : vector<512x1024xi1>, vector<512x1024xi32>
      %reduce_min3A_457 = arith.constant dense<2147483647> : vector<512xi32>
      %reduce_min3A_458 = vector.multi_reduction <minsi>, %select_n3A_456, %reduce_min3A_457 [1] : vector<512x1024xi32> to vector<512xi32>
      %broadcast_in_dim3A_459 = vector.shape_cast %reduce_min3A_458 : vector<512xi32> to vector<512x1xi32>
      %lt3A = arith.cmpf olt, %broadcast_in_dim3A_451, %scan3A_434 : vector<512x1xf32>
      %eq3A_460 = arith.cmpf oeq, %broadcast_in_dim3A_451, %scan3A_434 : vector<512x1xf32>
      %lt3A_461 = arith.cmpi slt, %broadcast_in_dim3A_459, %scan3A_435 : vector<512x1xi32>
      %and3A_462 = arith.andi %eq3A_460, %lt3A_461 : vector<512x1xi1>
      %or3A_463 = arith.ori %lt3A, %and3A_462 : vector<512x1xi1>
      %select_n3A_464 = arith.select %or3A_463, %broadcast_in_dim3A_451, %scan3A_434 : vector<512x1xi1>, vector<512x1xf32>
      %select_n3A_465 = arith.select %or3A_463, %broadcast_in_dim3A_459, %scan3A_435 : vector<512x1xi1>, vector<512x1xi32>
      scf.yield %select_n3A_464, %select_n3A_465 : vector<512x1xf32>, vector<512x1xi32>
    }
    %scan3A_273 = arith.constant 10 : i32
    %swap3A_274 = arith.constant 0 : index
    %swap3A_275 = arith.constant 19 : index
    %swap3A_276 = vector.load %arg3[%swap3A_274, %swap3A_275] : memref<512x32xi32, #tpu.memory_space<vmem>>, vector<512x1xi32>
    tpu.vector_store %arg3[%swap3A_274, %swap3A_275], %scan3A_272#1 {strides = array<i32>} : memref<512x32xi32, #tpu.memory_space<vmem>>, vector<512x1xi32>,
    %broadcast_in_dim3A_277 = arith.constant 3.000000e+38 : f32
    %broadcast_in_dim3A_278 = vector.broadcast %broadcast_in_dim3A_277 : f32 to vector<512x1xf32>
    %broadcast_in_dim3A_279 = arith.constant 1073741824 : i32
    %broadcast_in_dim3A_280 = vector.broadcast %broadcast_in_dim3A_279 : i32 to vector<512x1xi32>
    %scan3A_281 = arith.constant 0 : i32
    %scan3A_282 = arith.constant 10 : i32
    %scan3A_283 = arith.addi %scan3A_281, %scan3A_282 : i32
    %scan3A_284 = arith.constant 1 : i32
    %scan3A_285:2 = scf.for %scan3A_433 = %scan3A_281 to %scan3A_283 step %scan3A_284 iter_args(%scan3A_434 = %broadcast_in_dim3A_278, %scan3A_435 = %broadcast_in_dim3A_280) -> (vector<512x1xf32>, vector<512x1xi32>)  : i32 {
      %mul3A_436 = arith.constant 1024 : i32
      %mul3A_437 = arith.muli %scan3A_433, %mul3A_436 : i32
      %get3A_438 = arith.constant 0 : index
      %get3A_439 = arith.index_cast %mul3A_437 : i32 to index
      %get3A_440 = vector.load %arg4[%get3A_438, %get3A_439] : memref<512x10240xf32, #tpu.memory_space<vmem>>, vector<512x1024xf32>
      %iota3A = tpu.iota {dimensions = array<i32: 1>} : vector<512x1024xi32>
      %mul3A_441 = arith.constant 1024 : i32
      %mul3A_442 = arith.muli %scan3A_433, %mul3A_441 : i32
      %add3A_443 = vector.broadcast %mul3A_442 : i32 to vector<512x1024xi32>
      %add3A_444 = arith.addi %iota3A, %add3A_443 : vector<512x1024xi32>
      %gt3A = vector.broadcast %scan3A_272#0 : vector<512x1xf32> to vector<512x1024xf32>
      %gt3A_445 = arith.cmpf ogt, %get3A_440, %gt3A : vector<512x1024xf32>
      %eq3A = vector.broadcast %scan3A_272#0 : vector<512x1xf32> to vector<512x1024xf32>
      %eq3A_446 = arith.cmpf oeq, %get3A_440, %eq3A : vector<512x1024xf32>
      %gt3A_447 = vector.broadcast %scan3A_272#1 : vector<512x1xi32> to vector<512x1024xi32>
      %gt3A_448 = arith.cmpi sgt, %add3A_444, %gt3A_447 : vector<512x1024xi32>
      %and3A = arith.andi %eq3A_446, %gt3A_448 : vector<512x1024xi1>
      %or3A = arith.ori %gt3A_445, %and3A : vector<512x1024xi1>
      %jit3A = arith.constant 3.000000e+38 : f32
      %broadcast_in_dim3A_449 = vector.broadcast %jit3A : f32 to vector<512x1024xf32>
      %select_n3A = arith.select %or3A, %get3A_440, %broadcast_in_dim3A_449 : vector<512x1024xi1>, vector<512x1024xf32>
      %reduce_min3A = arith.constant dense<0x7F800000> : vector<512xf32>
      %reduce_min3A_450 = vector.multi_reduction <minimumf>, %select_n3A, %reduce_min3A [1] : vector<512x1024xf32> to vector<512xf32>
      %broadcast_in_dim3A_451 = vector.shape_cast %reduce_min3A_450 : vector<512xf32> to vector<512x1xf32>
      %eq3A_452 = vector.broadcast %broadcast_in_dim3A_451 : vector<512x1xf32> to vector<512x1024xf32>
      %eq3A_453 = arith.cmpf oeq, %select_n3A, %eq3A_452 : vector<512x1024xf32>
      %jit3A_454 = arith.constant 1073741824 : i32
      %broadcast_in_dim3A_455 = vector.broadcast %jit3A_454 : i32 to vector<512x1024xi32>
      %select_n3A_456 = arith.select %eq3A_453, %add3A_444, %broadcast_in_dim3A_455 : vector<512x1024xi1>, vector<512x1024xi32>
      %reduce_min3A_457 = arith.constant dense<2147483647> : vector<512xi32>
      %reduce_min3A_458 = vector.multi_reduction <minsi>, %select_n3A_456, %reduce_min3A_457 [1] : vector<512x1024xi32> to vector<512xi32>
      %broadcast_in_dim3A_459 = vector.shape_cast %reduce_min3A_458 : vector<512xi32> to vector<512x1xi32>
      %lt3A = arith.cmpf olt, %broadcast_in_dim3A_451, %scan3A_434 : vector<512x1xf32>
      %eq3A_460 = arith.cmpf oeq, %broadcast_in_dim3A_451, %scan3A_434 : vector<512x1xf32>
      %lt3A_461 = arith.cmpi slt, %broadcast_in_dim3A_459, %scan3A_435 : vector<512x1xi32>
      %and3A_462 = arith.andi %eq3A_460, %lt3A_461 : vector<512x1xi1>
      %or3A_463 = arith.ori %lt3A, %and3A_462 : vector<512x1xi1>
      %select_n3A_464 = arith.select %or3A_463, %broadcast_in_dim3A_451, %scan3A_434 : vector<512x1xi1>, vector<512x1xf32>
      %select_n3A_465 = arith.select %or3A_463, %broadcast_in_dim3A_459, %scan3A_435 : vector<512x1xi1>, vector<512x1xi32>
      scf.yield %select_n3A_464, %select_n3A_465 : vector<512x1xf32>, vector<512x1xi32>
    }
    %scan3A_286 = arith.constant 10 : i32
    %swap3A_287 = arith.constant 0 : index
    %swap3A_288 = arith.constant 20 : index
    %swap3A_289 = vector.load %arg3[%swap3A_287, %swap3A_288] : memref<512x32xi32, #tpu.memory_space<vmem>>, vector<512x1xi32>
    tpu.vector_store %arg3[%swap3A_287, %swap3A_288], %scan3A_285#1 {strides = array<i32>} : memref<512x32xi32, #tpu.memory_space<vmem>>, vector<512x1xi32>,
    %broadcast_in_dim3A_290 = arith.constant 3.000000e+38 : f32
    %broadcast_in_dim3A_291 = vector.broadcast %broadcast_in_dim3A_290 : f32 to vector<512x1xf32>
    %broadcast_in_dim3A_292 = arith.constant 1073741824 : i32
    %broadcast_in_dim3A_293 = vector.broadcast %broadcast_in_dim3A_292 : i32 to vector<512x1xi32>
    %scan3A_294 = arith.constant 0 : i32
    %scan3A_295 = arith.constant 10 : i32
    %scan3A_296 = arith.addi %scan3A_294, %scan3A_295 : i32
    %scan3A_297 = arith.constant 1 : i32
    %scan3A_298:2 = scf.for %scan3A_433 = %scan3A_294 to %scan3A_296 step %scan3A_297 iter_args(%scan3A_434 = %broadcast_in_dim3A_291, %scan3A_435 = %broadcast_in_dim3A_293) -> (vector<512x1xf32>, vector<512x1xi32>)  : i32 {
      %mul3A_436 = arith.constant 1024 : i32
      %mul3A_437 = arith.muli %scan3A_433, %mul3A_436 : i32
      %get3A_438 = arith.constant 0 : index
      %get3A_439 = arith.index_cast %mul3A_437 : i32 to index
      %get3A_440 = vector.load %arg4[%get3A_438, %get3A_439] : memref<512x10240xf32, #tpu.memory_space<vmem>>, vector<512x1024xf32>
      %iota3A = tpu.iota {dimensions = array<i32: 1>} : vector<512x1024xi32>
      %mul3A_441 = arith.constant 1024 : i32
      %mul3A_442 = arith.muli %scan3A_433, %mul3A_441 : i32
      %add3A_443 = vector.broadcast %mul3A_442 : i32 to vector<512x1024xi32>
      %add3A_444 = arith.addi %iota3A, %add3A_443 : vector<512x1024xi32>
      %gt3A = vector.broadcast %scan3A_285#0 : vector<512x1xf32> to vector<512x1024xf32>
      %gt3A_445 = arith.cmpf ogt, %get3A_440, %gt3A : vector<512x1024xf32>
      %eq3A = vector.broadcast %scan3A_285#0 : vector<512x1xf32> to vector<512x1024xf32>
      %eq3A_446 = arith.cmpf oeq, %get3A_440, %eq3A : vector<512x1024xf32>
      %gt3A_447 = vector.broadcast %scan3A_285#1 : vector<512x1xi32> to vector<512x1024xi32>
      %gt3A_448 = arith.cmpi sgt, %add3A_444, %gt3A_447 : vector<512x1024xi32>
      %and3A = arith.andi %eq3A_446, %gt3A_448 : vector<512x1024xi1>
      %or3A = arith.ori %gt3A_445, %and3A : vector<512x1024xi1>
      %jit3A = arith.constant 3.000000e+38 : f32
      %broadcast_in_dim3A_449 = vector.broadcast %jit3A : f32 to vector<512x1024xf32>
      %select_n3A = arith.select %or3A, %get3A_440, %broadcast_in_dim3A_449 : vector<512x1024xi1>, vector<512x1024xf32>
      %reduce_min3A = arith.constant dense<0x7F800000> : vector<512xf32>
      %reduce_min3A_450 = vector.multi_reduction <minimumf>, %select_n3A, %reduce_min3A [1] : vector<512x1024xf32> to vector<512xf32>
      %broadcast_in_dim3A_451 = vector.shape_cast %reduce_min3A_450 : vector<512xf32> to vector<512x1xf32>
      %eq3A_452 = vector.broadcast %broadcast_in_dim3A_451 : vector<512x1xf32> to vector<512x1024xf32>
      %eq3A_453 = arith.cmpf oeq, %select_n3A, %eq3A_452 : vector<512x1024xf32>
      %jit3A_454 = arith.constant 1073741824 : i32
      %broadcast_in_dim3A_455 = vector.broadcast %jit3A_454 : i32 to vector<512x1024xi32>
      %select_n3A_456 = arith.select %eq3A_453, %add3A_444, %broadcast_in_dim3A_455 : vector<512x1024xi1>, vector<512x1024xi32>
      %reduce_min3A_457 = arith.constant dense<2147483647> : vector<512xi32>
      %reduce_min3A_458 = vector.multi_reduction <minsi>, %select_n3A_456, %reduce_min3A_457 [1] : vector<512x1024xi32> to vector<512xi32>
      %broadcast_in_dim3A_459 = vector.shape_cast %reduce_min3A_458 : vector<512xi32> to vector<512x1xi32>
      %lt3A = arith.cmpf olt, %broadcast_in_dim3A_451, %scan3A_434 : vector<512x1xf32>
      %eq3A_460 = arith.cmpf oeq, %broadcast_in_dim3A_451, %scan3A_434 : vector<512x1xf32>
      %lt3A_461 = arith.cmpi slt, %broadcast_in_dim3A_459, %scan3A_435 : vector<512x1xi32>
      %and3A_462 = arith.andi %eq3A_460, %lt3A_461 : vector<512x1xi1>
      %or3A_463 = arith.ori %lt3A, %and3A_462 : vector<512x1xi1>
      %select_n3A_464 = arith.select %or3A_463, %broadcast_in_dim3A_451, %scan3A_434 : vector<512x1xi1>, vector<512x1xf32>
      %select_n3A_465 = arith.select %or3A_463, %broadcast_in_dim3A_459, %scan3A_435 : vector<512x1xi1>, vector<512x1xi32>
      scf.yield %select_n3A_464, %select_n3A_465 : vector<512x1xf32>, vector<512x1xi32>
    }
    %scan3A_299 = arith.constant 10 : i32
    %swap3A_300 = arith.constant 0 : index
    %swap3A_301 = arith.constant 21 : index
    %swap3A_302 = vector.load %arg3[%swap3A_300, %swap3A_301] : memref<512x32xi32, #tpu.memory_space<vmem>>, vector<512x1xi32>
    tpu.vector_store %arg3[%swap3A_300, %swap3A_301], %scan3A_298#1 {strides = array<i32>} : memref<512x32xi32, #tpu.memory_space<vmem>>, vector<512x1xi32>,
    %broadcast_in_dim3A_303 = arith.constant 3.000000e+38 : f32
    %broadcast_in_dim3A_304 = vector.broadcast %broadcast_in_dim3A_303 : f32 to vector<512x1xf32>
    %broadcast_in_dim3A_305 = arith.constant 1073741824 : i32
    %broadcast_in_dim3A_306 = vector.broadcast %broadcast_in_dim3A_305 : i32 to vector<512x1xi32>
    %scan3A_307 = arith.constant 0 : i32
    %scan3A_308 = arith.constant 10 : i32
    %scan3A_309 = arith.addi %scan3A_307, %scan3A_308 : i32
    %scan3A_310 = arith.constant 1 : i32
    %scan3A_311:2 = scf.for %scan3A_433 = %scan3A_307 to %scan3A_309 step %scan3A_310 iter_args(%scan3A_434 = %broadcast_in_dim3A_304, %scan3A_435 = %broadcast_in_dim3A_306) -> (vector<512x1xf32>, vector<512x1xi32>)  : i32 {
      %mul3A_436 = arith.constant 1024 : i32
      %mul3A_437 = arith.muli %scan3A_433, %mul3A_436 : i32
      %get3A_438 = arith.constant 0 : index
      %get3A_439 = arith.index_cast %mul3A_437 : i32 to index
      %get3A_440 = vector.load %arg4[%get3A_438, %get3A_439] : memref<512x10240xf32, #tpu.memory_space<vmem>>, vector<512x1024xf32>
      %iota3A = tpu.iota {dimensions = array<i32: 1>} : vector<512x1024xi32>
      %mul3A_441 = arith.constant 1024 : i32
      %mul3A_442 = arith.muli %scan3A_433, %mul3A_441 : i32
      %add3A_443 = vector.broadcast %mul3A_442 : i32 to vector<512x1024xi32>
      %add3A_444 = arith.addi %iota3A, %add3A_443 : vector<512x1024xi32>
      %gt3A = vector.broadcast %scan3A_298#0 : vector<512x1xf32> to vector<512x1024xf32>
      %gt3A_445 = arith.cmpf ogt, %get3A_440, %gt3A : vector<512x1024xf32>
      %eq3A = vector.broadcast %scan3A_298#0 : vector<512x1xf32> to vector<512x1024xf32>
      %eq3A_446 = arith.cmpf oeq, %get3A_440, %eq3A : vector<512x1024xf32>
      %gt3A_447 = vector.broadcast %scan3A_298#1 : vector<512x1xi32> to vector<512x1024xi32>
      %gt3A_448 = arith.cmpi sgt, %add3A_444, %gt3A_447 : vector<512x1024xi32>
      %and3A = arith.andi %eq3A_446, %gt3A_448 : vector<512x1024xi1>
      %or3A = arith.ori %gt3A_445, %and3A : vector<512x1024xi1>
      %jit3A = arith.constant 3.000000e+38 : f32
      %broadcast_in_dim3A_449 = vector.broadcast %jit3A : f32 to vector<512x1024xf32>
      %select_n3A = arith.select %or3A, %get3A_440, %broadcast_in_dim3A_449 : vector<512x1024xi1>, vector<512x1024xf32>
      %reduce_min3A = arith.constant dense<0x7F800000> : vector<512xf32>
      %reduce_min3A_450 = vector.multi_reduction <minimumf>, %select_n3A, %reduce_min3A [1] : vector<512x1024xf32> to vector<512xf32>
      %broadcast_in_dim3A_451 = vector.shape_cast %reduce_min3A_450 : vector<512xf32> to vector<512x1xf32>
      %eq3A_452 = vector.broadcast %broadcast_in_dim3A_451 : vector<512x1xf32> to vector<512x1024xf32>
      %eq3A_453 = arith.cmpf oeq, %select_n3A, %eq3A_452 : vector<512x1024xf32>
      %jit3A_454 = arith.constant 1073741824 : i32
      %broadcast_in_dim3A_455 = vector.broadcast %jit3A_454 : i32 to vector<512x1024xi32>
      %select_n3A_456 = arith.select %eq3A_453, %add3A_444, %broadcast_in_dim3A_455 : vector<512x1024xi1>, vector<512x1024xi32>
      %reduce_min3A_457 = arith.constant dense<2147483647> : vector<512xi32>
      %reduce_min3A_458 = vector.multi_reduction <minsi>, %select_n3A_456, %reduce_min3A_457 [1] : vector<512x1024xi32> to vector<512xi32>
      %broadcast_in_dim3A_459 = vector.shape_cast %reduce_min3A_458 : vector<512xi32> to vector<512x1xi32>
      %lt3A = arith.cmpf olt, %broadcast_in_dim3A_451, %scan3A_434 : vector<512x1xf32>
      %eq3A_460 = arith.cmpf oeq, %broadcast_in_dim3A_451, %scan3A_434 : vector<512x1xf32>
      %lt3A_461 = arith.cmpi slt, %broadcast_in_dim3A_459, %scan3A_435 : vector<512x1xi32>
      %and3A_462 = arith.andi %eq3A_460, %lt3A_461 : vector<512x1xi1>
      %or3A_463 = arith.ori %lt3A, %and3A_462 : vector<512x1xi1>
      %select_n3A_464 = arith.select %or3A_463, %broadcast_in_dim3A_451, %scan3A_434 : vector<512x1xi1>, vector<512x1xf32>
      %select_n3A_465 = arith.select %or3A_463, %broadcast_in_dim3A_459, %scan3A_435 : vector<512x1xi1>, vector<512x1xi32>
      scf.yield %select_n3A_464, %select_n3A_465 : vector<512x1xf32>, vector<512x1xi32>
    }
    %scan3A_312 = arith.constant 10 : i32
    %swap3A_313 = arith.constant 0 : index
    %swap3A_314 = arith.constant 22 : index
    %swap3A_315 = vector.load %arg3[%swap3A_313, %swap3A_314] : memref<512x32xi32, #tpu.memory_space<vmem>>, vector<512x1xi32>
    tpu.vector_store %arg3[%swap3A_313, %swap3A_314], %scan3A_311#1 {strides = array<i32>} : memref<512x32xi32, #tpu.memory_space<vmem>>, vector<512x1xi32>,
    %broadcast_in_dim3A_316 = arith.constant 3.000000e+38 : f32
    %broadcast_in_dim3A_317 = vector.broadcast %broadcast_in_dim3A_316 : f32 to vector<512x1xf32>
    %broadcast_in_dim3A_318 = arith.constant 1073741824 : i32
    %broadcast_in_dim3A_319 = vector.broadcast %broadcast_in_dim3A_318 : i32 to vector<512x1xi32>
    %scan3A_320 = arith.constant 0 : i32
    %scan3A_321 = arith.constant 10 : i32
    %scan3A_322 = arith.addi %scan3A_320, %scan3A_321 : i32
    %scan3A_323 = arith.constant 1 : i32
    %scan3A_324:2 = scf.for %scan3A_433 = %scan3A_320 to %scan3A_322 step %scan3A_323 iter_args(%scan3A_434 = %broadcast_in_dim3A_317, %scan3A_435 = %broadcast_in_dim3A_319) -> (vector<512x1xf32>, vector<512x1xi32>)  : i32 {
      %mul3A_436 = arith.constant 1024 : i32
      %mul3A_437 = arith.muli %scan3A_433, %mul3A_436 : i32
      %get3A_438 = arith.constant 0 : index
      %get3A_439 = arith.index_cast %mul3A_437 : i32 to index
      %get3A_440 = vector.load %arg4[%get3A_438, %get3A_439] : memref<512x10240xf32, #tpu.memory_space<vmem>>, vector<512x1024xf32>
      %iota3A = tpu.iota {dimensions = array<i32: 1>} : vector<512x1024xi32>
      %mul3A_441 = arith.constant 1024 : i32
      %mul3A_442 = arith.muli %scan3A_433, %mul3A_441 : i32
      %add3A_443 = vector.broadcast %mul3A_442 : i32 to vector<512x1024xi32>
      %add3A_444 = arith.addi %iota3A, %add3A_443 : vector<512x1024xi32>
      %gt3A = vector.broadcast %scan3A_311#0 : vector<512x1xf32> to vector<512x1024xf32>
      %gt3A_445 = arith.cmpf ogt, %get3A_440, %gt3A : vector<512x1024xf32>
      %eq3A = vector.broadcast %scan3A_311#0 : vector<512x1xf32> to vector<512x1024xf32>
      %eq3A_446 = arith.cmpf oeq, %get3A_440, %eq3A : vector<512x1024xf32>
      %gt3A_447 = vector.broadcast %scan3A_311#1 : vector<512x1xi32> to vector<512x1024xi32>
      %gt3A_448 = arith.cmpi sgt, %add3A_444, %gt3A_447 : vector<512x1024xi32>
      %and3A = arith.andi %eq3A_446, %gt3A_448 : vector<512x1024xi1>
      %or3A = arith.ori %gt3A_445, %and3A : vector<512x1024xi1>
      %jit3A = arith.constant 3.000000e+38 : f32
      %broadcast_in_dim3A_449 = vector.broadcast %jit3A : f32 to vector<512x1024xf32>
      %select_n3A = arith.select %or3A, %get3A_440, %broadcast_in_dim3A_449 : vector<512x1024xi1>, vector<512x1024xf32>
      %reduce_min3A = arith.constant dense<0x7F800000> : vector<512xf32>
      %reduce_min3A_450 = vector.multi_reduction <minimumf>, %select_n3A, %reduce_min3A [1] : vector<512x1024xf32> to vector<512xf32>
      %broadcast_in_dim3A_451 = vector.shape_cast %reduce_min3A_450 : vector<512xf32> to vector<512x1xf32>
      %eq3A_452 = vector.broadcast %broadcast_in_dim3A_451 : vector<512x1xf32> to vector<512x1024xf32>
      %eq3A_453 = arith.cmpf oeq, %select_n3A, %eq3A_452 : vector<512x1024xf32>
      %jit3A_454 = arith.constant 1073741824 : i32
      %broadcast_in_dim3A_455 = vector.broadcast %jit3A_454 : i32 to vector<512x1024xi32>
      %select_n3A_456 = arith.select %eq3A_453, %add3A_444, %broadcast_in_dim3A_455 : vector<512x1024xi1>, vector<512x1024xi32>
      %reduce_min3A_457 = arith.constant dense<2147483647> : vector<512xi32>
      %reduce_min3A_458 = vector.multi_reduction <minsi>, %select_n3A_456, %reduce_min3A_457 [1] : vector<512x1024xi32> to vector<512xi32>
      %broadcast_in_dim3A_459 = vector.shape_cast %reduce_min3A_458 : vector<512xi32> to vector<512x1xi32>
      %lt3A = arith.cmpf olt, %broadcast_in_dim3A_451, %scan3A_434 : vector<512x1xf32>
      %eq3A_460 = arith.cmpf oeq, %broadcast_in_dim3A_451, %scan3A_434 : vector<512x1xf32>
      %lt3A_461 = arith.cmpi slt, %broadcast_in_dim3A_459, %scan3A_435 : vector<512x1xi32>
      %and3A_462 = arith.andi %eq3A_460, %lt3A_461 : vector<512x1xi1>
      %or3A_463 = arith.ori %lt3A, %and3A_462 : vector<512x1xi1>
      %select_n3A_464 = arith.select %or3A_463, %broadcast_in_dim3A_451, %scan3A_434 : vector<512x1xi1>, vector<512x1xf32>
      %select_n3A_465 = arith.select %or3A_463, %broadcast_in_dim3A_459, %scan3A_435 : vector<512x1xi1>, vector<512x1xi32>
      scf.yield %select_n3A_464, %select_n3A_465 : vector<512x1xf32>, vector<512x1xi32>
    }
    %scan3A_325 = arith.constant 10 : i32
    %swap3A_326 = arith.constant 0 : index
    %swap3A_327 = arith.constant 23 : index
    %swap3A_328 = vector.load %arg3[%swap3A_326, %swap3A_327] : memref<512x32xi32, #tpu.memory_space<vmem>>, vector<512x1xi32>
    tpu.vector_store %arg3[%swap3A_326, %swap3A_327], %scan3A_324#1 {strides = array<i32>} : memref<512x32xi32, #tpu.memory_space<vmem>>, vector<512x1xi32>,
    %broadcast_in_dim3A_329 = arith.constant 3.000000e+38 : f32
    %broadcast_in_dim3A_330 = vector.broadcast %broadcast_in_dim3A_329 : f32 to vector<512x1xf32>
    %broadcast_in_dim3A_331 = arith.constant 1073741824 : i32
    %broadcast_in_dim3A_332 = vector.broadcast %broadcast_in_dim3A_331 : i32 to vector<512x1xi32>
    %scan3A_333 = arith.constant 0 : i32
    %scan3A_334 = arith.constant 10 : i32
    %scan3A_335 = arith.addi %scan3A_333, %scan3A_334 : i32
    %scan3A_336 = arith.constant 1 : i32
    %scan3A_337:2 = scf.for %scan3A_433 = %scan3A_333 to %scan3A_335 step %scan3A_336 iter_args(%scan3A_434 = %broadcast_in_dim3A_330, %scan3A_435 = %broadcast_in_dim3A_332) -> (vector<512x1xf32>, vector<512x1xi32>)  : i32 {
      %mul3A_436 = arith.constant 1024 : i32
      %mul3A_437 = arith.muli %scan3A_433, %mul3A_436 : i32
      %get3A_438 = arith.constant 0 : index
      %get3A_439 = arith.index_cast %mul3A_437 : i32 to index
      %get3A_440 = vector.load %arg4[%get3A_438, %get3A_439] : memref<512x10240xf32, #tpu.memory_space<vmem>>, vector<512x1024xf32>
      %iota3A = tpu.iota {dimensions = array<i32: 1>} : vector<512x1024xi32>
      %mul3A_441 = arith.constant 1024 : i32
      %mul3A_442 = arith.muli %scan3A_433, %mul3A_441 : i32
      %add3A_443 = vector.broadcast %mul3A_442 : i32 to vector<512x1024xi32>
      %add3A_444 = arith.addi %iota3A, %add3A_443 : vector<512x1024xi32>
      %gt3A = vector.broadcast %scan3A_324#0 : vector<512x1xf32> to vector<512x1024xf32>
      %gt3A_445 = arith.cmpf ogt, %get3A_440, %gt3A : vector<512x1024xf32>
      %eq3A = vector.broadcast %scan3A_324#0 : vector<512x1xf32> to vector<512x1024xf32>
      %eq3A_446 = arith.cmpf oeq, %get3A_440, %eq3A : vector<512x1024xf32>
      %gt3A_447 = vector.broadcast %scan3A_324#1 : vector<512x1xi32> to vector<512x1024xi32>
      %gt3A_448 = arith.cmpi sgt, %add3A_444, %gt3A_447 : vector<512x1024xi32>
      %and3A = arith.andi %eq3A_446, %gt3A_448 : vector<512x1024xi1>
      %or3A = arith.ori %gt3A_445, %and3A : vector<512x1024xi1>
      %jit3A = arith.constant 3.000000e+38 : f32
      %broadcast_in_dim3A_449 = vector.broadcast %jit3A : f32 to vector<512x1024xf32>
      %select_n3A = arith.select %or3A, %get3A_440, %broadcast_in_dim3A_449 : vector<512x1024xi1>, vector<512x1024xf32>
      %reduce_min3A = arith.constant dense<0x7F800000> : vector<512xf32>
      %reduce_min3A_450 = vector.multi_reduction <minimumf>, %select_n3A, %reduce_min3A [1] : vector<512x1024xf32> to vector<512xf32>
      %broadcast_in_dim3A_451 = vector.shape_cast %reduce_min3A_450 : vector<512xf32> to vector<512x1xf32>
      %eq3A_452 = vector.broadcast %broadcast_in_dim3A_451 : vector<512x1xf32> to vector<512x1024xf32>
      %eq3A_453 = arith.cmpf oeq, %select_n3A, %eq3A_452 : vector<512x1024xf32>
      %jit3A_454 = arith.constant 1073741824 : i32
      %broadcast_in_dim3A_455 = vector.broadcast %jit3A_454 : i32 to vector<512x1024xi32>
      %select_n3A_456 = arith.select %eq3A_453, %add3A_444, %broadcast_in_dim3A_455 : vector<512x1024xi1>, vector<512x1024xi32>
      %reduce_min3A_457 = arith.constant dense<2147483647> : vector<512xi32>
      %reduce_min3A_458 = vector.multi_reduction <minsi>, %select_n3A_456, %reduce_min3A_457 [1] : vector<512x1024xi32> to vector<512xi32>
      %broadcast_in_dim3A_459 = vector.shape_cast %reduce_min3A_458 : vector<512xi32> to vector<512x1xi32>
      %lt3A = arith.cmpf olt, %broadcast_in_dim3A_451, %scan3A_434 : vector<512x1xf32>
      %eq3A_460 = arith.cmpf oeq, %broadcast_in_dim3A_451, %scan3A_434 : vector<512x1xf32>
      %lt3A_461 = arith.cmpi slt, %broadcast_in_dim3A_459, %scan3A_435 : vector<512x1xi32>
      %and3A_462 = arith.andi %eq3A_460, %lt3A_461 : vector<512x1xi1>
      %or3A_463 = arith.ori %lt3A, %and3A_462 : vector<512x1xi1>
      %select_n3A_464 = arith.select %or3A_463, %broadcast_in_dim3A_451, %scan3A_434 : vector<512x1xi1>, vector<512x1xf32>
      %select_n3A_465 = arith.select %or3A_463, %broadcast_in_dim3A_459, %scan3A_435 : vector<512x1xi1>, vector<512x1xi32>
      scf.yield %select_n3A_464, %select_n3A_465 : vector<512x1xf32>, vector<512x1xi32>
    }
    %scan3A_338 = arith.constant 10 : i32
    %swap3A_339 = arith.constant 0 : index
    %swap3A_340 = arith.constant 24 : index
    %swap3A_341 = vector.load %arg3[%swap3A_339, %swap3A_340] : memref<512x32xi32, #tpu.memory_space<vmem>>, vector<512x1xi32>
    tpu.vector_store %arg3[%swap3A_339, %swap3A_340], %scan3A_337#1 {strides = array<i32>} : memref<512x32xi32, #tpu.memory_space<vmem>>, vector<512x1xi32>,
    %broadcast_in_dim3A_342 = arith.constant 3.000000e+38 : f32
    %broadcast_in_dim3A_343 = vector.broadcast %broadcast_in_dim3A_342 : f32 to vector<512x1xf32>
    %broadcast_in_dim3A_344 = arith.constant 1073741824 : i32
    %broadcast_in_dim3A_345 = vector.broadcast %broadcast_in_dim3A_344 : i32 to vector<512x1xi32>
    %scan3A_346 = arith.constant 0 : i32
    %scan3A_347 = arith.constant 10 : i32
    %scan3A_348 = arith.addi %scan3A_346, %scan3A_347 : i32
    %scan3A_349 = arith.constant 1 : i32
    %scan3A_350:2 = scf.for %scan3A_433 = %scan3A_346 to %scan3A_348 step %scan3A_349 iter_args(%scan3A_434 = %broadcast_in_dim3A_343, %scan3A_435 = %broadcast_in_dim3A_345) -> (vector<512x1xf32>, vector<512x1xi32>)  : i32 {
      %mul3A_436 = arith.constant 1024 : i32
      %mul3A_437 = arith.muli %scan3A_433, %mul3A_436 : i32
      %get3A_438 = arith.constant 0 : index
      %get3A_439 = arith.index_cast %mul3A_437 : i32 to index
      %get3A_440 = vector.load %arg4[%get3A_438, %get3A_439] : memref<512x10240xf32, #tpu.memory_space<vmem>>, vector<512x1024xf32>
      %iota3A = tpu.iota {dimensions = array<i32: 1>} : vector<512x1024xi32>
      %mul3A_441 = arith.constant 1024 : i32
      %mul3A_442 = arith.muli %scan3A_433, %mul3A_441 : i32
      %add3A_443 = vector.broadcast %mul3A_442 : i32 to vector<512x1024xi32>
      %add3A_444 = arith.addi %iota3A, %add3A_443 : vector<512x1024xi32>
      %gt3A = vector.broadcast %scan3A_337#0 : vector<512x1xf32> to vector<512x1024xf32>
      %gt3A_445 = arith.cmpf ogt, %get3A_440, %gt3A : vector<512x1024xf32>
      %eq3A = vector.broadcast %scan3A_337#0 : vector<512x1xf32> to vector<512x1024xf32>
      %eq3A_446 = arith.cmpf oeq, %get3A_440, %eq3A : vector<512x1024xf32>
      %gt3A_447 = vector.broadcast %scan3A_337#1 : vector<512x1xi32> to vector<512x1024xi32>
      %gt3A_448 = arith.cmpi sgt, %add3A_444, %gt3A_447 : vector<512x1024xi32>
      %and3A = arith.andi %eq3A_446, %gt3A_448 : vector<512x1024xi1>
      %or3A = arith.ori %gt3A_445, %and3A : vector<512x1024xi1>
      %jit3A = arith.constant 3.000000e+38 : f32
      %broadcast_in_dim3A_449 = vector.broadcast %jit3A : f32 to vector<512x1024xf32>
      %select_n3A = arith.select %or3A, %get3A_440, %broadcast_in_dim3A_449 : vector<512x1024xi1>, vector<512x1024xf32>
      %reduce_min3A = arith.constant dense<0x7F800000> : vector<512xf32>
      %reduce_min3A_450 = vector.multi_reduction <minimumf>, %select_n3A, %reduce_min3A [1] : vector<512x1024xf32> to vector<512xf32>
      %broadcast_in_dim3A_451 = vector.shape_cast %reduce_min3A_450 : vector<512xf32> to vector<512x1xf32>
      %eq3A_452 = vector.broadcast %broadcast_in_dim3A_451 : vector<512x1xf32> to vector<512x1024xf32>
      %eq3A_453 = arith.cmpf oeq, %select_n3A, %eq3A_452 : vector<512x1024xf32>
      %jit3A_454 = arith.constant 1073741824 : i32
      %broadcast_in_dim3A_455 = vector.broadcast %jit3A_454 : i32 to vector<512x1024xi32>
      %select_n3A_456 = arith.select %eq3A_453, %add3A_444, %broadcast_in_dim3A_455 : vector<512x1024xi1>, vector<512x1024xi32>
      %reduce_min3A_457 = arith.constant dense<2147483647> : vector<512xi32>
      %reduce_min3A_458 = vector.multi_reduction <minsi>, %select_n3A_456, %reduce_min3A_457 [1] : vector<512x1024xi32> to vector<512xi32>
      %broadcast_in_dim3A_459 = vector.shape_cast %reduce_min3A_458 : vector<512xi32> to vector<512x1xi32>
      %lt3A = arith.cmpf olt, %broadcast_in_dim3A_451, %scan3A_434 : vector<512x1xf32>
      %eq3A_460 = arith.cmpf oeq, %broadcast_in_dim3A_451, %scan3A_434 : vector<512x1xf32>
      %lt3A_461 = arith.cmpi slt, %broadcast_in_dim3A_459, %scan3A_435 : vector<512x1xi32>
      %and3A_462 = arith.andi %eq3A_460, %lt3A_461 : vector<512x1xi1>
      %or3A_463 = arith.ori %lt3A, %and3A_462 : vector<512x1xi1>
      %select_n3A_464 = arith.select %or3A_463, %broadcast_in_dim3A_451, %scan3A_434 : vector<512x1xi1>, vector<512x1xf32>
      %select_n3A_465 = arith.select %or3A_463, %broadcast_in_dim3A_459, %scan3A_435 : vector<512x1xi1>, vector<512x1xi32>
      scf.yield %select_n3A_464, %select_n3A_465 : vector<512x1xf32>, vector<512x1xi32>
    }
    %scan3A_351 = arith.constant 10 : i32
    %swap3A_352 = arith.constant 0 : index
    %swap3A_353 = arith.constant 25 : index
    %swap3A_354 = vector.load %arg3[%swap3A_352, %swap3A_353] : memref<512x32xi32, #tpu.memory_space<vmem>>, vector<512x1xi32>
    tpu.vector_store %arg3[%swap3A_352, %swap3A_353], %scan3A_350#1 {strides = array<i32>} : memref<512x32xi32, #tpu.memory_space<vmem>>, vector<512x1xi32>,
    %broadcast_in_dim3A_355 = arith.constant 3.000000e+38 : f32
    %broadcast_in_dim3A_356 = vector.broadcast %broadcast_in_dim3A_355 : f32 to vector<512x1xf32>
    %broadcast_in_dim3A_357 = arith.constant 1073741824 : i32
    %broadcast_in_dim3A_358 = vector.broadcast %broadcast_in_dim3A_357 : i32 to vector<512x1xi32>
    %scan3A_359 = arith.constant 0 : i32
    %scan3A_360 = arith.constant 10 : i32
    %scan3A_361 = arith.addi %scan3A_359, %scan3A_360 : i32
    %scan3A_362 = arith.constant 1 : i32
    %scan3A_363:2 = scf.for %scan3A_433 = %scan3A_359 to %scan3A_361 step %scan3A_362 iter_args(%scan3A_434 = %broadcast_in_dim3A_356, %scan3A_435 = %broadcast_in_dim3A_358) -> (vector<512x1xf32>, vector<512x1xi32>)  : i32 {
      %mul3A_436 = arith.constant 1024 : i32
      %mul3A_437 = arith.muli %scan3A_433, %mul3A_436 : i32
      %get3A_438 = arith.constant 0 : index
      %get3A_439 = arith.index_cast %mul3A_437 : i32 to index
      %get3A_440 = vector.load %arg4[%get3A_438, %get3A_439] : memref<512x10240xf32, #tpu.memory_space<vmem>>, vector<512x1024xf32>
      %iota3A = tpu.iota {dimensions = array<i32: 1>} : vector<512x1024xi32>
      %mul3A_441 = arith.constant 1024 : i32
      %mul3A_442 = arith.muli %scan3A_433, %mul3A_441 : i32
      %add3A_443 = vector.broadcast %mul3A_442 : i32 to vector<512x1024xi32>
      %add3A_444 = arith.addi %iota3A, %add3A_443 : vector<512x1024xi32>
      %gt3A = vector.broadcast %scan3A_350#0 : vector<512x1xf32> to vector<512x1024xf32>
      %gt3A_445 = arith.cmpf ogt, %get3A_440, %gt3A : vector<512x1024xf32>
      %eq3A = vector.broadcast %scan3A_350#0 : vector<512x1xf32> to vector<512x1024xf32>
      %eq3A_446 = arith.cmpf oeq, %get3A_440, %eq3A : vector<512x1024xf32>
      %gt3A_447 = vector.broadcast %scan3A_350#1 : vector<512x1xi32> to vector<512x1024xi32>
      %gt3A_448 = arith.cmpi sgt, %add3A_444, %gt3A_447 : vector<512x1024xi32>
      %and3A = arith.andi %eq3A_446, %gt3A_448 : vector<512x1024xi1>
      %or3A = arith.ori %gt3A_445, %and3A : vector<512x1024xi1>
      %jit3A = arith.constant 3.000000e+38 : f32
      %broadcast_in_dim3A_449 = vector.broadcast %jit3A : f32 to vector<512x1024xf32>
      %select_n3A = arith.select %or3A, %get3A_440, %broadcast_in_dim3A_449 : vector<512x1024xi1>, vector<512x1024xf32>
      %reduce_min3A = arith.constant dense<0x7F800000> : vector<512xf32>
      %reduce_min3A_450 = vector.multi_reduction <minimumf>, %select_n3A, %reduce_min3A [1] : vector<512x1024xf32> to vector<512xf32>
      %broadcast_in_dim3A_451 = vector.shape_cast %reduce_min3A_450 : vector<512xf32> to vector<512x1xf32>
      %eq3A_452 = vector.broadcast %broadcast_in_dim3A_451 : vector<512x1xf32> to vector<512x1024xf32>
      %eq3A_453 = arith.cmpf oeq, %select_n3A, %eq3A_452 : vector<512x1024xf32>
      %jit3A_454 = arith.constant 1073741824 : i32
      %broadcast_in_dim3A_455 = vector.broadcast %jit3A_454 : i32 to vector<512x1024xi32>
      %select_n3A_456 = arith.select %eq3A_453, %add3A_444, %broadcast_in_dim3A_455 : vector<512x1024xi1>, vector<512x1024xi32>
      %reduce_min3A_457 = arith.constant dense<2147483647> : vector<512xi32>
      %reduce_min3A_458 = vector.multi_reduction <minsi>, %select_n3A_456, %reduce_min3A_457 [1] : vector<512x1024xi32> to vector<512xi32>
      %broadcast_in_dim3A_459 = vector.shape_cast %reduce_min3A_458 : vector<512xi32> to vector<512x1xi32>
      %lt3A = arith.cmpf olt, %broadcast_in_dim3A_451, %scan3A_434 : vector<512x1xf32>
      %eq3A_460 = arith.cmpf oeq, %broadcast_in_dim3A_451, %scan3A_434 : vector<512x1xf32>
      %lt3A_461 = arith.cmpi slt, %broadcast_in_dim3A_459, %scan3A_435 : vector<512x1xi32>
      %and3A_462 = arith.andi %eq3A_460, %lt3A_461 : vector<512x1xi1>
      %or3A_463 = arith.ori %lt3A, %and3A_462 : vector<512x1xi1>
      %select_n3A_464 = arith.select %or3A_463, %broadcast_in_dim3A_451, %scan3A_434 : vector<512x1xi1>, vector<512x1xf32>
      %select_n3A_465 = arith.select %or3A_463, %broadcast_in_dim3A_459, %scan3A_435 : vector<512x1xi1>, vector<512x1xi32>
      scf.yield %select_n3A_464, %select_n3A_465 : vector<512x1xf32>, vector<512x1xi32>
    }
    %scan3A_364 = arith.constant 10 : i32
    %swap3A_365 = arith.constant 0 : index
    %swap3A_366 = arith.constant 26 : index
    %swap3A_367 = vector.load %arg3[%swap3A_365, %swap3A_366] : memref<512x32xi32, #tpu.memory_space<vmem>>, vector<512x1xi32>
    tpu.vector_store %arg3[%swap3A_365, %swap3A_366], %scan3A_363#1 {strides = array<i32>} : memref<512x32xi32, #tpu.memory_space<vmem>>, vector<512x1xi32>,
    %broadcast_in_dim3A_368 = arith.constant 3.000000e+38 : f32
    %broadcast_in_dim3A_369 = vector.broadcast %broadcast_in_dim3A_368 : f32 to vector<512x1xf32>
    %broadcast_in_dim3A_370 = arith.constant 1073741824 : i32
    %broadcast_in_dim3A_371 = vector.broadcast %broadcast_in_dim3A_370 : i32 to vector<512x1xi32>
    %scan3A_372 = arith.constant 0 : i32
    %scan3A_373 = arith.constant 10 : i32
    %scan3A_374 = arith.addi %scan3A_372, %scan3A_373 : i32
    %scan3A_375 = arith.constant 1 : i32
    %scan3A_376:2 = scf.for %scan3A_433 = %scan3A_372 to %scan3A_374 step %scan3A_375 iter_args(%scan3A_434 = %broadcast_in_dim3A_369, %scan3A_435 = %broadcast_in_dim3A_371) -> (vector<512x1xf32>, vector<512x1xi32>)  : i32 {
      %mul3A_436 = arith.constant 1024 : i32
      %mul3A_437 = arith.muli %scan3A_433, %mul3A_436 : i32
      %get3A_438 = arith.constant 0 : index
      %get3A_439 = arith.index_cast %mul3A_437 : i32 to index
      %get3A_440 = vector.load %arg4[%get3A_438, %get3A_439] : memref<512x10240xf32, #tpu.memory_space<vmem>>, vector<512x1024xf32>
      %iota3A = tpu.iota {dimensions = array<i32: 1>} : vector<512x1024xi32>
      %mul3A_441 = arith.constant 1024 : i32
      %mul3A_442 = arith.muli %scan3A_433, %mul3A_441 : i32
      %add3A_443 = vector.broadcast %mul3A_442 : i32 to vector<512x1024xi32>
      %add3A_444 = arith.addi %iota3A, %add3A_443 : vector<512x1024xi32>
      %gt3A = vector.broadcast %scan3A_363#0 : vector<512x1xf32> to vector<512x1024xf32>
      %gt3A_445 = arith.cmpf ogt, %get3A_440, %gt3A : vector<512x1024xf32>
      %eq3A = vector.broadcast %scan3A_363#0 : vector<512x1xf32> to vector<512x1024xf32>
      %eq3A_446 = arith.cmpf oeq, %get3A_440, %eq3A : vector<512x1024xf32>
      %gt3A_447 = vector.broadcast %scan3A_363#1 : vector<512x1xi32> to vector<512x1024xi32>
      %gt3A_448 = arith.cmpi sgt, %add3A_444, %gt3A_447 : vector<512x1024xi32>
      %and3A = arith.andi %eq3A_446, %gt3A_448 : vector<512x1024xi1>
      %or3A = arith.ori %gt3A_445, %and3A : vector<512x1024xi1>
      %jit3A = arith.constant 3.000000e+38 : f32
      %broadcast_in_dim3A_449 = vector.broadcast %jit3A : f32 to vector<512x1024xf32>
      %select_n3A = arith.select %or3A, %get3A_440, %broadcast_in_dim3A_449 : vector<512x1024xi1>, vector<512x1024xf32>
      %reduce_min3A = arith.constant dense<0x7F800000> : vector<512xf32>
      %reduce_min3A_450 = vector.multi_reduction <minimumf>, %select_n3A, %reduce_min3A [1] : vector<512x1024xf32> to vector<512xf32>
      %broadcast_in_dim3A_451 = vector.shape_cast %reduce_min3A_450 : vector<512xf32> to vector<512x1xf32>
      %eq3A_452 = vector.broadcast %broadcast_in_dim3A_451 : vector<512x1xf32> to vector<512x1024xf32>
      %eq3A_453 = arith.cmpf oeq, %select_n3A, %eq3A_452 : vector<512x1024xf32>
      %jit3A_454 = arith.constant 1073741824 : i32
      %broadcast_in_dim3A_455 = vector.broadcast %jit3A_454 : i32 to vector<512x1024xi32>
      %select_n3A_456 = arith.select %eq3A_453, %add3A_444, %broadcast_in_dim3A_455 : vector<512x1024xi1>, vector<512x1024xi32>
      %reduce_min3A_457 = arith.constant dense<2147483647> : vector<512xi32>
      %reduce_min3A_458 = vector.multi_reduction <minsi>, %select_n3A_456, %reduce_min3A_457 [1] : vector<512x1024xi32> to vector<512xi32>
      %broadcast_in_dim3A_459 = vector.shape_cast %reduce_min3A_458 : vector<512xi32> to vector<512x1xi32>
      %lt3A = arith.cmpf olt, %broadcast_in_dim3A_451, %scan3A_434 : vector<512x1xf32>
      %eq3A_460 = arith.cmpf oeq, %broadcast_in_dim3A_451, %scan3A_434 : vector<512x1xf32>
      %lt3A_461 = arith.cmpi slt, %broadcast_in_dim3A_459, %scan3A_435 : vector<512x1xi32>
      %and3A_462 = arith.andi %eq3A_460, %lt3A_461 : vector<512x1xi1>
      %or3A_463 = arith.ori %lt3A, %and3A_462 : vector<512x1xi1>
      %select_n3A_464 = arith.select %or3A_463, %broadcast_in_dim3A_451, %scan3A_434 : vector<512x1xi1>, vector<512x1xf32>
      %select_n3A_465 = arith.select %or3A_463, %broadcast_in_dim3A_459, %scan3A_435 : vector<512x1xi1>, vector<512x1xi32>
      scf.yield %select_n3A_464, %select_n3A_465 : vector<512x1xf32>, vector<512x1xi32>
    }
    %scan3A_377 = arith.constant 10 : i32
    %swap3A_378 = arith.constant 0 : index
    %swap3A_379 = arith.constant 27 : index
    %swap3A_380 = vector.load %arg3[%swap3A_378, %swap3A_379] : memref<512x32xi32, #tpu.memory_space<vmem>>, vector<512x1xi32>
    tpu.vector_store %arg3[%swap3A_378, %swap3A_379], %scan3A_376#1 {strides = array<i32>} : memref<512x32xi32, #tpu.memory_space<vmem>>, vector<512x1xi32>,
    %broadcast_in_dim3A_381 = arith.constant 3.000000e+38 : f32
    %broadcast_in_dim3A_382 = vector.broadcast %broadcast_in_dim3A_381 : f32 to vector<512x1xf32>
    %broadcast_in_dim3A_383 = arith.constant 1073741824 : i32
    %broadcast_in_dim3A_384 = vector.broadcast %broadcast_in_dim3A_383 : i32 to vector<512x1xi32>
    %scan3A_385 = arith.constant 0 : i32
    %scan3A_386 = arith.constant 10 : i32
    %scan3A_387 = arith.addi %scan3A_385, %scan3A_386 : i32
    %scan3A_388 = arith.constant 1 : i32
    %scan3A_389:2 = scf.for %scan3A_433 = %scan3A_385 to %scan3A_387 step %scan3A_388 iter_args(%scan3A_434 = %broadcast_in_dim3A_382, %scan3A_435 = %broadcast_in_dim3A_384) -> (vector<512x1xf32>, vector<512x1xi32>)  : i32 {
      %mul3A_436 = arith.constant 1024 : i32
      %mul3A_437 = arith.muli %scan3A_433, %mul3A_436 : i32
      %get3A_438 = arith.constant 0 : index
      %get3A_439 = arith.index_cast %mul3A_437 : i32 to index
      %get3A_440 = vector.load %arg4[%get3A_438, %get3A_439] : memref<512x10240xf32, #tpu.memory_space<vmem>>, vector<512x1024xf32>
      %iota3A = tpu.iota {dimensions = array<i32: 1>} : vector<512x1024xi32>
      %mul3A_441 = arith.constant 1024 : i32
      %mul3A_442 = arith.muli %scan3A_433, %mul3A_441 : i32
      %add3A_443 = vector.broadcast %mul3A_442 : i32 to vector<512x1024xi32>
      %add3A_444 = arith.addi %iota3A, %add3A_443 : vector<512x1024xi32>
      %gt3A = vector.broadcast %scan3A_376#0 : vector<512x1xf32> to vector<512x1024xf32>
      %gt3A_445 = arith.cmpf ogt, %get3A_440, %gt3A : vector<512x1024xf32>
      %eq3A = vector.broadcast %scan3A_376#0 : vector<512x1xf32> to vector<512x1024xf32>
      %eq3A_446 = arith.cmpf oeq, %get3A_440, %eq3A : vector<512x1024xf32>
      %gt3A_447 = vector.broadcast %scan3A_376#1 : vector<512x1xi32> to vector<512x1024xi32>
      %gt3A_448 = arith.cmpi sgt, %add3A_444, %gt3A_447 : vector<512x1024xi32>
      %and3A = arith.andi %eq3A_446, %gt3A_448 : vector<512x1024xi1>
      %or3A = arith.ori %gt3A_445, %and3A : vector<512x1024xi1>
      %jit3A = arith.constant 3.000000e+38 : f32
      %broadcast_in_dim3A_449 = vector.broadcast %jit3A : f32 to vector<512x1024xf32>
      %select_n3A = arith.select %or3A, %get3A_440, %broadcast_in_dim3A_449 : vector<512x1024xi1>, vector<512x1024xf32>
      %reduce_min3A = arith.constant dense<0x7F800000> : vector<512xf32>
      %reduce_min3A_450 = vector.multi_reduction <minimumf>, %select_n3A, %reduce_min3A [1] : vector<512x1024xf32> to vector<512xf32>
      %broadcast_in_dim3A_451 = vector.shape_cast %reduce_min3A_450 : vector<512xf32> to vector<512x1xf32>
      %eq3A_452 = vector.broadcast %broadcast_in_dim3A_451 : vector<512x1xf32> to vector<512x1024xf32>
      %eq3A_453 = arith.cmpf oeq, %select_n3A, %eq3A_452 : vector<512x1024xf32>
      %jit3A_454 = arith.constant 1073741824 : i32
      %broadcast_in_dim3A_455 = vector.broadcast %jit3A_454 : i32 to vector<512x1024xi32>
      %select_n3A_456 = arith.select %eq3A_453, %add3A_444, %broadcast_in_dim3A_455 : vector<512x1024xi1>, vector<512x1024xi32>
      %reduce_min3A_457 = arith.constant dense<2147483647> : vector<512xi32>
      %reduce_min3A_458 = vector.multi_reduction <minsi>, %select_n3A_456, %reduce_min3A_457 [1] : vector<512x1024xi32> to vector<512xi32>
      %broadcast_in_dim3A_459 = vector.shape_cast %reduce_min3A_458 : vector<512xi32> to vector<512x1xi32>
      %lt3A = arith.cmpf olt, %broadcast_in_dim3A_451, %scan3A_434 : vector<512x1xf32>
      %eq3A_460 = arith.cmpf oeq, %broadcast_in_dim3A_451, %scan3A_434 : vector<512x1xf32>
      %lt3A_461 = arith.cmpi slt, %broadcast_in_dim3A_459, %scan3A_435 : vector<512x1xi32>
      %and3A_462 = arith.andi %eq3A_460, %lt3A_461 : vector<512x1xi1>
      %or3A_463 = arith.ori %lt3A, %and3A_462 : vector<512x1xi1>
      %select_n3A_464 = arith.select %or3A_463, %broadcast_in_dim3A_451, %scan3A_434 : vector<512x1xi1>, vector<512x1xf32>
      %select_n3A_465 = arith.select %or3A_463, %broadcast_in_dim3A_459, %scan3A_435 : vector<512x1xi1>, vector<512x1xi32>
      scf.yield %select_n3A_464, %select_n3A_465 : vector<512x1xf32>, vector<512x1xi32>
    }
    %scan3A_390 = arith.constant 10 : i32
    %swap3A_391 = arith.constant 0 : index
    %swap3A_392 = arith.constant 28 : index
    %swap3A_393 = vector.load %arg3[%swap3A_391, %swap3A_392] : memref<512x32xi32, #tpu.memory_space<vmem>>, vector<512x1xi32>
    tpu.vector_store %arg3[%swap3A_391, %swap3A_392], %scan3A_389#1 {strides = array<i32>} : memref<512x32xi32, #tpu.memory_space<vmem>>, vector<512x1xi32>,
    %broadcast_in_dim3A_394 = arith.constant 3.000000e+38 : f32
    %broadcast_in_dim3A_395 = vector.broadcast %broadcast_in_dim3A_394 : f32 to vector<512x1xf32>
    %broadcast_in_dim3A_396 = arith.constant 1073741824 : i32
    %broadcast_in_dim3A_397 = vector.broadcast %broadcast_in_dim3A_396 : i32 to vector<512x1xi32>
    %scan3A_398 = arith.constant 0 : i32
    %scan3A_399 = arith.constant 10 : i32
    %scan3A_400 = arith.addi %scan3A_398, %scan3A_399 : i32
    %scan3A_401 = arith.constant 1 : i32
    %scan3A_402:2 = scf.for %scan3A_433 = %scan3A_398 to %scan3A_400 step %scan3A_401 iter_args(%scan3A_434 = %broadcast_in_dim3A_395, %scan3A_435 = %broadcast_in_dim3A_397) -> (vector<512x1xf32>, vector<512x1xi32>)  : i32 {
      %mul3A_436 = arith.constant 1024 : i32
      %mul3A_437 = arith.muli %scan3A_433, %mul3A_436 : i32
      %get3A_438 = arith.constant 0 : index
      %get3A_439 = arith.index_cast %mul3A_437 : i32 to index
      %get3A_440 = vector.load %arg4[%get3A_438, %get3A_439] : memref<512x10240xf32, #tpu.memory_space<vmem>>, vector<512x1024xf32>
      %iota3A = tpu.iota {dimensions = array<i32: 1>} : vector<512x1024xi32>
      %mul3A_441 = arith.constant 1024 : i32
      %mul3A_442 = arith.muli %scan3A_433, %mul3A_441 : i32
      %add3A_443 = vector.broadcast %mul3A_442 : i32 to vector<512x1024xi32>
      %add3A_444 = arith.addi %iota3A, %add3A_443 : vector<512x1024xi32>
      %gt3A = vector.broadcast %scan3A_389#0 : vector<512x1xf32> to vector<512x1024xf32>
      %gt3A_445 = arith.cmpf ogt, %get3A_440, %gt3A : vector<512x1024xf32>
      %eq3A = vector.broadcast %scan3A_389#0 : vector<512x1xf32> to vector<512x1024xf32>
      %eq3A_446 = arith.cmpf oeq, %get3A_440, %eq3A : vector<512x1024xf32>
      %gt3A_447 = vector.broadcast %scan3A_389#1 : vector<512x1xi32> to vector<512x1024xi32>
      %gt3A_448 = arith.cmpi sgt, %add3A_444, %gt3A_447 : vector<512x1024xi32>
      %and3A = arith.andi %eq3A_446, %gt3A_448 : vector<512x1024xi1>
      %or3A = arith.ori %gt3A_445, %and3A : vector<512x1024xi1>
      %jit3A = arith.constant 3.000000e+38 : f32
      %broadcast_in_dim3A_449 = vector.broadcast %jit3A : f32 to vector<512x1024xf32>
      %select_n3A = arith.select %or3A, %get3A_440, %broadcast_in_dim3A_449 : vector<512x1024xi1>, vector<512x1024xf32>
      %reduce_min3A = arith.constant dense<0x7F800000> : vector<512xf32>
      %reduce_min3A_450 = vector.multi_reduction <minimumf>, %select_n3A, %reduce_min3A [1] : vector<512x1024xf32> to vector<512xf32>
      %broadcast_in_dim3A_451 = vector.shape_cast %reduce_min3A_450 : vector<512xf32> to vector<512x1xf32>
      %eq3A_452 = vector.broadcast %broadcast_in_dim3A_451 : vector<512x1xf32> to vector<512x1024xf32>
      %eq3A_453 = arith.cmpf oeq, %select_n3A, %eq3A_452 : vector<512x1024xf32>
      %jit3A_454 = arith.constant 1073741824 : i32
      %broadcast_in_dim3A_455 = vector.broadcast %jit3A_454 : i32 to vector<512x1024xi32>
      %select_n3A_456 = arith.select %eq3A_453, %add3A_444, %broadcast_in_dim3A_455 : vector<512x1024xi1>, vector<512x1024xi32>
      %reduce_min3A_457 = arith.constant dense<2147483647> : vector<512xi32>
      %reduce_min3A_458 = vector.multi_reduction <minsi>, %select_n3A_456, %reduce_min3A_457 [1] : vector<512x1024xi32> to vector<512xi32>
      %broadcast_in_dim3A_459 = vector.shape_cast %reduce_min3A_458 : vector<512xi32> to vector<512x1xi32>
      %lt3A = arith.cmpf olt, %broadcast_in_dim3A_451, %scan3A_434 : vector<512x1xf32>
      %eq3A_460 = arith.cmpf oeq, %broadcast_in_dim3A_451, %scan3A_434 : vector<512x1xf32>
      %lt3A_461 = arith.cmpi slt, %broadcast_in_dim3A_459, %scan3A_435 : vector<512x1xi32>
      %and3A_462 = arith.andi %eq3A_460, %lt3A_461 : vector<512x1xi1>
      %or3A_463 = arith.ori %lt3A, %and3A_462 : vector<512x1xi1>
      %select_n3A_464 = arith.select %or3A_463, %broadcast_in_dim3A_451, %scan3A_434 : vector<512x1xi1>, vector<512x1xf32>
      %select_n3A_465 = arith.select %or3A_463, %broadcast_in_dim3A_459, %scan3A_435 : vector<512x1xi1>, vector<512x1xi32>
      scf.yield %select_n3A_464, %select_n3A_465 : vector<512x1xf32>, vector<512x1xi32>
    }
    %scan3A_403 = arith.constant 10 : i32
    %swap3A_404 = arith.constant 0 : index
    %swap3A_405 = arith.constant 29 : index
    %swap3A_406 = vector.load %arg3[%swap3A_404, %swap3A_405] : memref<512x32xi32, #tpu.memory_space<vmem>>, vector<512x1xi32>
    tpu.vector_store %arg3[%swap3A_404, %swap3A_405], %scan3A_402#1 {strides = array<i32>} : memref<512x32xi32, #tpu.memory_space<vmem>>, vector<512x1xi32>,
    %broadcast_in_dim3A_407 = arith.constant 3.000000e+38 : f32
    %broadcast_in_dim3A_408 = vector.broadcast %broadcast_in_dim3A_407 : f32 to vector<512x1xf32>
    %broadcast_in_dim3A_409 = arith.constant 1073741824 : i32
    %broadcast_in_dim3A_410 = vector.broadcast %broadcast_in_dim3A_409 : i32 to vector<512x1xi32>
    %scan3A_411 = arith.constant 0 : i32
    %scan3A_412 = arith.constant 10 : i32
    %scan3A_413 = arith.addi %scan3A_411, %scan3A_412 : i32
    %scan3A_414 = arith.constant 1 : i32
    %scan3A_415:2 = scf.for %scan3A_433 = %scan3A_411 to %scan3A_413 step %scan3A_414 iter_args(%scan3A_434 = %broadcast_in_dim3A_408, %scan3A_435 = %broadcast_in_dim3A_410) -> (vector<512x1xf32>, vector<512x1xi32>)  : i32 {
      %mul3A_436 = arith.constant 1024 : i32
      %mul3A_437 = arith.muli %scan3A_433, %mul3A_436 : i32
      %get3A_438 = arith.constant 0 : index
      %get3A_439 = arith.index_cast %mul3A_437 : i32 to index
      %get3A_440 = vector.load %arg4[%get3A_438, %get3A_439] : memref<512x10240xf32, #tpu.memory_space<vmem>>, vector<512x1024xf32>
      %iota3A = tpu.iota {dimensions = array<i32: 1>} : vector<512x1024xi32>
      %mul3A_441 = arith.constant 1024 : i32
      %mul3A_442 = arith.muli %scan3A_433, %mul3A_441 : i32
      %add3A_443 = vector.broadcast %mul3A_442 : i32 to vector<512x1024xi32>
      %add3A_444 = arith.addi %iota3A, %add3A_443 : vector<512x1024xi32>
      %gt3A = vector.broadcast %scan3A_402#0 : vector<512x1xf32> to vector<512x1024xf32>
      %gt3A_445 = arith.cmpf ogt, %get3A_440, %gt3A : vector<512x1024xf32>
      %eq3A = vector.broadcast %scan3A_402#0 : vector<512x1xf32> to vector<512x1024xf32>
      %eq3A_446 = arith.cmpf oeq, %get3A_440, %eq3A : vector<512x1024xf32>
      %gt3A_447 = vector.broadcast %scan3A_402#1 : vector<512x1xi32> to vector<512x1024xi32>
      %gt3A_448 = arith.cmpi sgt, %add3A_444, %gt3A_447 : vector<512x1024xi32>
      %and3A = arith.andi %eq3A_446, %gt3A_448 : vector<512x1024xi1>
      %or3A = arith.ori %gt3A_445, %and3A : vector<512x1024xi1>
      %jit3A = arith.constant 3.000000e+38 : f32
      %broadcast_in_dim3A_449 = vector.broadcast %jit3A : f32 to vector<512x1024xf32>
      %select_n3A = arith.select %or3A, %get3A_440, %broadcast_in_dim3A_449 : vector<512x1024xi1>, vector<512x1024xf32>
      %reduce_min3A = arith.constant dense<0x7F800000> : vector<512xf32>
      %reduce_min3A_450 = vector.multi_reduction <minimumf>, %select_n3A, %reduce_min3A [1] : vector<512x1024xf32> to vector<512xf32>
      %broadcast_in_dim3A_451 = vector.shape_cast %reduce_min3A_450 : vector<512xf32> to vector<512x1xf32>
      %eq3A_452 = vector.broadcast %broadcast_in_dim3A_451 : vector<512x1xf32> to vector<512x1024xf32>
      %eq3A_453 = arith.cmpf oeq, %select_n3A, %eq3A_452 : vector<512x1024xf32>
      %jit3A_454 = arith.constant 1073741824 : i32
      %broadcast_in_dim3A_455 = vector.broadcast %jit3A_454 : i32 to vector<512x1024xi32>
      %select_n3A_456 = arith.select %eq3A_453, %add3A_444, %broadcast_in_dim3A_455 : vector<512x1024xi1>, vector<512x1024xi32>
      %reduce_min3A_457 = arith.constant dense<2147483647> : vector<512xi32>
      %reduce_min3A_458 = vector.multi_reduction <minsi>, %select_n3A_456, %reduce_min3A_457 [1] : vector<512x1024xi32> to vector<512xi32>
      %broadcast_in_dim3A_459 = vector.shape_cast %reduce_min3A_458 : vector<512xi32> to vector<512x1xi32>
      %lt3A = arith.cmpf olt, %broadcast_in_dim3A_451, %scan3A_434 : vector<512x1xf32>
      %eq3A_460 = arith.cmpf oeq, %broadcast_in_dim3A_451, %scan3A_434 : vector<512x1xf32>
      %lt3A_461 = arith.cmpi slt, %broadcast_in_dim3A_459, %scan3A_435 : vector<512x1xi32>
      %and3A_462 = arith.andi %eq3A_460, %lt3A_461 : vector<512x1xi1>
      %or3A_463 = arith.ori %lt3A, %and3A_462 : vector<512x1xi1>
      %select_n3A_464 = arith.select %or3A_463, %broadcast_in_dim3A_451, %scan3A_434 : vector<512x1xi1>, vector<512x1xf32>
      %select_n3A_465 = arith.select %or3A_463, %broadcast_in_dim3A_459, %scan3A_435 : vector<512x1xi1>, vector<512x1xi32>
      scf.yield %select_n3A_464, %select_n3A_465 : vector<512x1xf32>, vector<512x1xi32>
    }
    %scan3A_416 = arith.constant 10 : i32
    %swap3A_417 = arith.constant 0 : index
    %swap3A_418 = arith.constant 30 : index
    %swap3A_419 = vector.load %arg3[%swap3A_417, %swap3A_418] : memref<512x32xi32, #tpu.memory_space<vmem>>, vector<512x1xi32>
    tpu.vector_store %arg3[%swap3A_417, %swap3A_418], %scan3A_415#1 {strides = array<i32>} : memref<512x32xi32, #tpu.memory_space<vmem>>, vector<512x1xi32>,
    %broadcast_in_dim3A_420 = arith.constant 3.000000e+38 : f32
    %broadcast_in_dim3A_421 = vector.broadcast %broadcast_in_dim3A_420 : f32 to vector<512x1xf32>
    %broadcast_in_dim3A_422 = arith.constant 1073741824 : i32
    %broadcast_in_dim3A_423 = vector.broadcast %broadcast_in_dim3A_422 : i32 to vector<512x1xi32>
    %scan3A_424 = arith.constant 0 : i32
    %scan3A_425 = arith.constant 10 : i32
    %scan3A_426 = arith.addi %scan3A_424, %scan3A_425 : i32
    %scan3A_427 = arith.constant 1 : i32
    %scan3A_428:2 = scf.for %scan3A_433 = %scan3A_424 to %scan3A_426 step %scan3A_427 iter_args(%scan3A_434 = %broadcast_in_dim3A_421, %scan3A_435 = %broadcast_in_dim3A_423) -> (vector<512x1xf32>, vector<512x1xi32>)  : i32 {
      %mul3A_436 = arith.constant 1024 : i32
      %mul3A_437 = arith.muli %scan3A_433, %mul3A_436 : i32
      %get3A_438 = arith.constant 0 : index
      %get3A_439 = arith.index_cast %mul3A_437 : i32 to index
      %get3A_440 = vector.load %arg4[%get3A_438, %get3A_439] : memref<512x10240xf32, #tpu.memory_space<vmem>>, vector<512x1024xf32>
      %iota3A = tpu.iota {dimensions = array<i32: 1>} : vector<512x1024xi32>
      %mul3A_441 = arith.constant 1024 : i32
      %mul3A_442 = arith.muli %scan3A_433, %mul3A_441 : i32
      %add3A_443 = vector.broadcast %mul3A_442 : i32 to vector<512x1024xi32>
      %add3A_444 = arith.addi %iota3A, %add3A_443 : vector<512x1024xi32>
      %gt3A = vector.broadcast %scan3A_415#0 : vector<512x1xf32> to vector<512x1024xf32>
      %gt3A_445 = arith.cmpf ogt, %get3A_440, %gt3A : vector<512x1024xf32>
      %eq3A = vector.broadcast %scan3A_415#0 : vector<512x1xf32> to vector<512x1024xf32>
      %eq3A_446 = arith.cmpf oeq, %get3A_440, %eq3A : vector<512x1024xf32>
      %gt3A_447 = vector.broadcast %scan3A_415#1 : vector<512x1xi32> to vector<512x1024xi32>
      %gt3A_448 = arith.cmpi sgt, %add3A_444, %gt3A_447 : vector<512x1024xi32>
      %and3A = arith.andi %eq3A_446, %gt3A_448 : vector<512x1024xi1>
      %or3A = arith.ori %gt3A_445, %and3A : vector<512x1024xi1>
      %jit3A = arith.constant 3.000000e+38 : f32
      %broadcast_in_dim3A_449 = vector.broadcast %jit3A : f32 to vector<512x1024xf32>
      %select_n3A = arith.select %or3A, %get3A_440, %broadcast_in_dim3A_449 : vector<512x1024xi1>, vector<512x1024xf32>
      %reduce_min3A = arith.constant dense<0x7F800000> : vector<512xf32>
      %reduce_min3A_450 = vector.multi_reduction <minimumf>, %select_n3A, %reduce_min3A [1] : vector<512x1024xf32> to vector<512xf32>
      %broadcast_in_dim3A_451 = vector.shape_cast %reduce_min3A_450 : vector<512xf32> to vector<512x1xf32>
      %eq3A_452 = vector.broadcast %broadcast_in_dim3A_451 : vector<512x1xf32> to vector<512x1024xf32>
      %eq3A_453 = arith.cmpf oeq, %select_n3A, %eq3A_452 : vector<512x1024xf32>
      %jit3A_454 = arith.constant 1073741824 : i32
      %broadcast_in_dim3A_455 = vector.broadcast %jit3A_454 : i32 to vector<512x1024xi32>
      %select_n3A_456 = arith.select %eq3A_453, %add3A_444, %broadcast_in_dim3A_455 : vector<512x1024xi1>, vector<512x1024xi32>
      %reduce_min3A_457 = arith.constant dense<2147483647> : vector<512xi32>
      %reduce_min3A_458 = vector.multi_reduction <minsi>, %select_n3A_456, %reduce_min3A_457 [1] : vector<512x1024xi32> to vector<512xi32>
      %broadcast_in_dim3A_459 = vector.shape_cast %reduce_min3A_458 : vector<512xi32> to vector<512x1xi32>
      %lt3A = arith.cmpf olt, %broadcast_in_dim3A_451, %scan3A_434 : vector<512x1xf32>
      %eq3A_460 = arith.cmpf oeq, %broadcast_in_dim3A_451, %scan3A_434 : vector<512x1xf32>
      %lt3A_461 = arith.cmpi slt, %broadcast_in_dim3A_459, %scan3A_435 : vector<512x1xi32>
      %and3A_462 = arith.andi %eq3A_460, %lt3A_461 : vector<512x1xi1>
      %or3A_463 = arith.ori %lt3A, %and3A_462 : vector<512x1xi1>
      %select_n3A_464 = arith.select %or3A_463, %broadcast_in_dim3A_451, %scan3A_434 : vector<512x1xi1>, vector<512x1xf32>
      %select_n3A_465 = arith.select %or3A_463, %broadcast_in_dim3A_459, %scan3A_435 : vector<512x1xi1>, vector<512x1xi32>
      scf.yield %select_n3A_464, %select_n3A_465 : vector<512x1xf32>, vector<512x1xi32>
    }
    %scan3A_429 = arith.constant 10 : i32
    %swap3A_430 = arith.constant 0 : index
    %swap3A_431 = arith.constant 31 : index
    %swap3A_432 = vector.load %arg3[%swap3A_430, %swap3A_431] : memref<512x32xi32, #tpu.memory_space<vmem>>, vector<512x1xi32>
    tpu.vector_store %arg3[%swap3A_430, %swap3A_431], %scan3A_428#1 {strides = array<i32>} : memref<512x32xi32, #tpu.memory_space<vmem>>, vector<512x1xi32>,
    return
  }
  func.func @transform_0(%arg0: i32) -> (i32, i32) {
    %c0_i32 = arith.constant 0 : i32
    %c0_i32_0 = arith.constant 0 : i32
    return %arg0, %c0_i32 : i32, i32
  }
  func.func @transform_1(%arg0: i32) -> (i32, i32) {
    %c0_i32 = arith.constant 0 : i32
    %c0_i32_0 = arith.constant 0 : i32
    %c0_i32_1 = arith.constant 0 : i32
    return %c0_i32, %c0_i32_0 : i32, i32
  }
  func.func @transform_2(%arg0: i32) -> (i32, i32) {
    %c0_i32 = arith.constant 0 : i32
    %c0_i32_0 = arith.constant 0 : i32
    return %arg0, %c0_i32 : i32, i32
  }
}

module attributes {stable_mosaic.version = 14 : i64} {
  func.func @_dense_body(%arg0: memref<2560x144xf32, #tpu.memory_space<vmem>>, %arg1: memref<2560x144xf32, #tpu.memory_space<vmem>>, %arg2: memref<144x256xf32, #tpu.memory_space<vmem>>, %arg3: memref<8x256xf32, #tpu.memory_space<vmem>>, %arg4: memref<2560x256xf32, #tpu.memory_space<vmem>>, %arg5: memref<2560x256xf32, #tpu.memory_space<vmem>>) attributes {dimension_semantics = [], scalar_prefetch = 0 : i64, scratch_operands = 1 : i64, tpu.core_type = #tpu.core_type<tc>} {
    %get3A = arith.constant 0 : index
    %get3A_0 = arith.constant 0 : index
    %get3A_1 = vector.load %arg2[%get3A, %get3A_0] : memref<144x256xf32, #tpu.memory_space<vmem>>, vector<144x256xf32>
    %get3A_2 = arith.constant 0 : index
    %get3A_3 = arith.constant 0 : index
    %get3A_4 = vector.load %arg3[%get3A_2, %get3A_3] : memref<8x256xf32, #tpu.memory_space<vmem>>, vector<1x256xf32>
    %get3A_5 = arith.constant 1 : index
    %get3A_6 = arith.constant 0 : index
    %get3A_7 = vector.load %arg3[%get3A_5, %get3A_6] : memref<8x256xf32, #tpu.memory_space<vmem>>, vector<1x256xf32>
    %get3A_8 = arith.constant 2 : index
    %get3A_9 = arith.constant 0 : index
    %get3A_10 = vector.load %arg3[%get3A_8, %get3A_9] : memref<8x256xf32, #tpu.memory_space<vmem>>, vector<1x256xf32>
    %scan3A = arith.constant 0 : i32
    %scan3A_11 = arith.constant 10 : i32
    %scan3A_12 = arith.addi %scan3A, %scan3A_11 : i32
    %scan3A_13 = arith.constant 1 : i32
    scf.for %scan3A_42 = %scan3A to %scan3A_12 step %scan3A_13  : i32 {
      %mul3A = arith.constant 256 : i32
      %mul3A_43 = arith.muli %scan3A_42, %mul3A : i32
      %get3A_44 = arith.index_cast %mul3A_43 : i32 to index
      %get3A_45 = arith.constant 0 : index
      %get3A_46 = vector.load %arg0[%get3A_44, %get3A_45] : memref<2560x144xf32, #tpu.memory_space<vmem>>, vector<256x144xf32>
      %get3A_47 = arith.index_cast %mul3A_43 : i32 to index
      %get3A_48 = arith.constant 0 : index
      %get3A_49 = vector.load %arg1[%get3A_47, %get3A_48] : memref<2560x144xf32, #tpu.memory_space<vmem>>, vector<256x144xf32>
      %sub3A = arith.subf %get3A_46, %get3A_49 : vector<256x144xf32>
      %dot_general3A = arith.constant dense<0.000000e+00> : vector<256x256xf32>
      %dot_general3A_50 = tpu.matmul %sub3A, %get3A_1, %dot_general3A {dimension_numbers = #tpu.dot_dimension_numbers<[1], [0], [0], [1], [0, 0, 1, 1], [], []>, transpose_lhs_hint = false} : vector<256x144xf32>, vector<144x256xf32>, vector<256x256xf32> -> vector<256x256xf32>
      %add3A_51 = vector.broadcast %get3A_4 : vector<1x256xf32> to vector<256x256xf32>
      %add3A_52 = arith.addf %dot_general3A_50, %add3A_51 : vector<256x256xf32>
      %swap3A = arith.index_cast %mul3A_43 : i32 to index
      %swap3A_53 = arith.constant 0 : index
      %swap3A_54 = vector.load %arg5[%swap3A, %swap3A_53] : memref<2560x256xf32, #tpu.memory_space<vmem>>, vector<256x256xf32>
      tpu.vector_store %arg5[%swap3A, %swap3A_53], %add3A_52 {strides = array<i32>} : memref<2560x256xf32, #tpu.memory_space<vmem>>, vector<256x256xf32>,
    }
    %scan3A_14 = arith.constant 10 : i32
    %broadcast_in_dim3A = arith.constant 0.000000e+00 : f32
    %broadcast_in_dim3A_15 = vector.broadcast %broadcast_in_dim3A : f32 to vector<1x256xf32>
    %scan3A_16 = arith.constant 0 : i32
    %scan3A_17 = arith.constant 10 : i32
    %scan3A_18 = arith.addi %scan3A_16, %scan3A_17 : i32
    %scan3A_19 = arith.constant 1 : i32
    %scan3A_20 = scf.for %scan3A_42 = %scan3A_16 to %scan3A_18 step %scan3A_19 iter_args(%scan3A_43 = %broadcast_in_dim3A_15) -> (vector<1x256xf32>)  : i32 {
      %mul3A = arith.constant 256 : i32
      %mul3A_44 = arith.muli %scan3A_42, %mul3A : i32
      %iota3A = tpu.iota {dimensions = array<i32: 0>} : vector<256x1xi32>
      %mul3A_45 = arith.constant 256 : i32
      %mul3A_46 = arith.muli %scan3A_42, %mul3A_45 : i32
      %add3A_47 = vector.broadcast %mul3A_46 : i32 to vector<256x1xi32>
      %add3A_48 = arith.addi %iota3A, %add3A_47 : vector<256x1xi32>
      %lt3A = arith.constant 2500 : i32
      %lt3A_49 = vector.broadcast %lt3A : i32 to vector<256x1xi32>
      %lt3A_50 = arith.cmpi slt, %add3A_48, %lt3A_49 : vector<256x1xi32>
      %get3A_51 = arith.index_cast %mul3A_44 : i32 to index
      %get3A_52 = arith.constant 0 : index
      %get3A_53 = vector.load %arg5[%get3A_51, %get3A_52] : memref<2560x256xf32, #tpu.memory_space<vmem>>, vector<256x256xf32>
      %jit3A = arith.constant 0.000000e+00 : f32
      %broadcast_in_dim3A_54 = vector.shape_cast %lt3A_50 : vector<256x1xi1> to vector<256x1xi1>
      %broadcast_in_dim3A_55 = vector.broadcast %broadcast_in_dim3A_54 : vector<256x1xi1> to vector<256x256xi1>
      %broadcast_in_dim3A_56 = vector.broadcast %jit3A : f32 to vector<256x256xf32>
      %select_n3A = arith.select %broadcast_in_dim3A_55, %get3A_53, %broadcast_in_dim3A_56 : vector<256x256xi1>, vector<256x256xf32>
      %reduce_sum3A = arith.constant dense<0.000000e+00> : vector<256xf32>
      %reduce_sum3A_57 = vector.multi_reduction <add>, %select_n3A, %reduce_sum3A [0] : vector<256x256xf32> to vector<256xf32>
      %broadcast_in_dim3A_58 = vector.shape_cast %reduce_sum3A_57 : vector<256xf32> to vector<1x256xf32>
      %add3A_59 = arith.addf %scan3A_43, %broadcast_in_dim3A_58 : vector<1x256xf32>
      scf.yield %add3A_59 : vector<1x256xf32>
    }
    %scan3A_21 = arith.constant 10 : i32
    %div3A = arith.constant 2.500000e+03 : f32
    %div3A_22 = vector.broadcast %div3A : f32 to vector<1x256xf32>
    %div3A_23 = arith.divf %scan3A_20, %div3A_22 : vector<1x256xf32>
    %broadcast_in_dim3A_24 = arith.constant 0.000000e+00 : f32
    %broadcast_in_dim3A_25 = vector.broadcast %broadcast_in_dim3A_24 : f32 to vector<1x256xf32>
    %scan3A_26 = arith.constant 0 : i32
    %scan3A_27 = arith.constant 10 : i32
    %scan3A_28 = arith.addi %scan3A_26, %scan3A_27 : i32
    %scan3A_29 = arith.constant 1 : i32
    %scan3A_30 = scf.for %scan3A_42 = %scan3A_26 to %scan3A_28 step %scan3A_29 iter_args(%scan3A_43 = %broadcast_in_dim3A_25) -> (vector<1x256xf32>)  : i32 {
      %mul3A = arith.constant 256 : i32
      %mul3A_44 = arith.muli %scan3A_42, %mul3A : i32
      %iota3A = tpu.iota {dimensions = array<i32: 0>} : vector<256x1xi32>
      %mul3A_45 = arith.constant 256 : i32
      %mul3A_46 = arith.muli %scan3A_42, %mul3A_45 : i32
      %add3A_47 = vector.broadcast %mul3A_46 : i32 to vector<256x1xi32>
      %add3A_48 = arith.addi %iota3A, %add3A_47 : vector<256x1xi32>
      %lt3A = arith.constant 2500 : i32
      %lt3A_49 = vector.broadcast %lt3A : i32 to vector<256x1xi32>
      %lt3A_50 = arith.cmpi slt, %add3A_48, %lt3A_49 : vector<256x1xi32>
      %get3A_51 = arith.index_cast %mul3A_44 : i32 to index
      %get3A_52 = arith.constant 0 : index
      %get3A_53 = vector.load %arg5[%get3A_51, %get3A_52] : memref<2560x256xf32, #tpu.memory_space<vmem>>, vector<256x256xf32>
      %sub3A = vector.broadcast %div3A_23 : vector<1x256xf32> to vector<256x256xf32>
      %sub3A_54 = arith.subf %get3A_53, %sub3A : vector<256x256xf32>
      %mul3A_55 = arith.mulf %sub3A_54, %sub3A_54 : vector<256x256xf32>
      %jit3A = arith.constant 0.000000e+00 : f32
      %broadcast_in_dim3A_56 = vector.shape_cast %lt3A_50 : vector<256x1xi1> to vector<256x1xi1>
      %broadcast_in_dim3A_57 = vector.broadcast %broadcast_in_dim3A_56 : vector<256x1xi1> to vector<256x256xi1>
      %broadcast_in_dim3A_58 = vector.broadcast %jit3A : f32 to vector<256x256xf32>
      %select_n3A = arith.select %broadcast_in_dim3A_57, %mul3A_55, %broadcast_in_dim3A_58 : vector<256x256xi1>, vector<256x256xf32>
      %reduce_sum3A = arith.constant dense<0.000000e+00> : vector<256xf32>
      %reduce_sum3A_59 = vector.multi_reduction <add>, %select_n3A, %reduce_sum3A [0] : vector<256x256xf32> to vector<256xf32>
      %broadcast_in_dim3A_60 = vector.shape_cast %reduce_sum3A_59 : vector<256xf32> to vector<1x256xf32>
      %add3A_61 = arith.addf %scan3A_43, %broadcast_in_dim3A_60 : vector<1x256xf32>
      scf.yield %add3A_61 : vector<1x256xf32>
    }
    %scan3A_31 = arith.constant 10 : i32
    %div3A_32 = arith.constant 2.500000e+03 : f32
    %div3A_33 = vector.broadcast %div3A_32 : f32 to vector<1x256xf32>
    %div3A_34 = arith.divf %scan3A_30, %div3A_33 : vector<1x256xf32>
    %add3A = arith.constant 9.99999974E-6 : f32
    %add3A_35 = vector.broadcast %add3A : f32 to vector<1x256xf32>
    %add3A_36 = arith.addf %div3A_34, %add3A_35 : vector<1x256xf32>
    %rsqrt3A = math.rsqrt %add3A_36 : vector<1x256xf32>
    %scan3A_37 = arith.constant 0 : i32
    %scan3A_38 = arith.constant 10 : i32
    %scan3A_39 = arith.addi %scan3A_37, %scan3A_38 : i32
    %scan3A_40 = arith.constant 1 : i32
    scf.for %scan3A_42 = %scan3A_37 to %scan3A_39 step %scan3A_40  : i32 {
      %mul3A = arith.constant 256 : i32
      %mul3A_43 = arith.muli %scan3A_42, %mul3A : i32
      %get3A_44 = arith.index_cast %mul3A_43 : i32 to index
      %get3A_45 = arith.constant 0 : index
      %get3A_46 = vector.load %arg5[%get3A_44, %get3A_45] : memref<2560x256xf32, #tpu.memory_space<vmem>>, vector<256x256xf32>
      %sub3A = vector.broadcast %div3A_23 : vector<1x256xf32> to vector<256x256xf32>
      %sub3A_47 = arith.subf %get3A_46, %sub3A : vector<256x256xf32>
      %mul3A_48 = vector.broadcast %rsqrt3A : vector<1x256xf32> to vector<256x256xf32>
      %mul3A_49 = arith.mulf %sub3A_47, %mul3A_48 : vector<256x256xf32>
      %mul3A_50 = vector.broadcast %get3A_7 : vector<1x256xf32> to vector<256x256xf32>
      %mul3A_51 = arith.mulf %mul3A_49, %mul3A_50 : vector<256x256xf32>
      %add3A_52 = vector.broadcast %get3A_10 : vector<1x256xf32> to vector<256x256xf32>
      %add3A_53 = arith.addf %mul3A_51, %add3A_52 : vector<256x256xf32>
      %max3A = arith.constant 0.000000e+00 : f32
      %max3A_54 = vector.broadcast %max3A : f32 to vector<256x256xf32>
      %max3A_55 = arith.maximumf %add3A_53, %max3A_54 : vector<256x256xf32>
      %swap3A = arith.index_cast %mul3A_43 : i32 to index
      %swap3A_56 = arith.constant 0 : index
      %swap3A_57 = vector.load %arg4[%swap3A, %swap3A_56] : memref<2560x256xf32, #tpu.memory_space<vmem>>, vector<256x256xf32>
      tpu.vector_store %arg4[%swap3A, %swap3A_56], %max3A_55 {strides = array<i32>} : memref<2560x256xf32, #tpu.memory_space<vmem>>, vector<256x256xf32>,
    }
    %scan3A_41 = arith.constant 10 : i32
    return
  }
}

</mosaic_0001>

<sc_bundles>
// kernel: kernel.5.cloned.1.call-start
scs
__scs_entry_jumppad:
0x0: {  	(pc) =	sbr.rel $0x88, $3  }
0x1: {  	(tag) =	ssettag $0x0;
	lr =	simm.s32 $0x1  }
0x2: {  	[smem:$0x3F9A] =	sst lr;
	_ =	strace $0xD0000000  }
0x3: {  	_ = 	snop  }
0x4: {  	_ = 	snop  }
0x5: {  	_ = 	snop  }
0x6: {  	_ = 	snop  }
0x7: {  	_ = 	snop  }
__scs_overlays_trampoline_lowered:
0x8: {  	[smem:$0x3FA9] =	sst s0  }
0x9: {  	[smem:$0x3FAA] =	sst s1  }
0xa: {  	[smem:$0x3FAB] =	sst s2  }
0xb: {  	[smem:$0x3FAC] =	sst s3  }
0xc: {  	[smem:$0x3FAD] =	sst s4  }
0xd: {  	[smem:$0x3FAE] =	sst s5  }
0xe: {  	[smem:$0x3FAF] =	sst s6  }
0xf: {  	[smem:$0x3FB0] =	sst s7  }
0x10: {  	[smem:$0x3FB1] =	sst s8  }
0x11: {  	[smem:$0x3FB2] =	sst s9;
	s0 =	simm.s32 @!p0 $0x0  }
0x12: {  	s1 =	sld [smem:$0x3F98];
	s0 =	simm.s32 @p0 $0x1  }
0x13: {  	[smem:$0x3FB3] =	sst s0;
	s0 =	simm.s32 @!p1 $0x0  }
0x14: {  	s2 =	sld [smem:$0x3F97];
	s0 =	simm.s32 @p1 $0x1  }
0x15: {  	[smem:$0x3FB4] =	sst s0;
	s0 =	simm.s32 @!p2 $0x0  }
0x16: {  	s3 =	sld [smem:$0x3FDB];
	s0 =	simm.s32 @p2 $0x1  }
0x17: {  	s4 =	simm.s32 $0x1BF5;
	[smem:$0x3FB6] =	sst s0  }
0x18: {  	s0 =	sld [smem:$0x3F99];
	_ =	swait.ge [sflag:s4], $0x0  }
0x19: {  	s7 =	sld [smem:$0x3F9A]  }
0x1a: {  	s8 =	sadd.s32 $0xFFFFE003, lr  }
0x1b: {  	s9 =	sadd.s32 $0xFFFFFEF7, lr;
	s5 =	simm.s32 $0xFFFFFFFF;
	p2 =	slt.u32 s8, $0xFFFFF086  }
0x1c: {  	p1 =	slt.u32 s9, $0xF7A;
	s5 =	simm.s32 @!p2 $0x0  }
0x1d: {  	s5 =	simm.s32 @p1 $0x1;
	p0 =	seq.s32 s7, s2  }
0x1e: {  	s7 =	smul.u32 @!p0 $0xF7A, s2;
	p2 =	seq.s32 @!p0 s5, $0x0  }
0x1f: {  	s9 =	smul.u32 $0xF7A, s1;
	s8 =	simm.s32 @!p0 $0x1BF5;
	p2 =	por !p2, p0  }
0x20: {  	[sflag:s8] =	ssyncset.s32 @!p0 $0xFFFFF086;
	s6 =	sadd.s32 @!p0 s3, s7;
	s7 =	simm.s32 @!p0 $0x108  }
0x21: {  	s3 =	sadd.s32 s3, s9;
	s6 =	sadd.s32 @!p0 $0x88, s6;
	s7 =	simm.s32 @p2 $0x1082  }
0x22: {  	[simem:s7], [sflag:s8] =	dma.local @!p0 [hbm:s6], $0xF7A  }
0x23: {  	s9 =	sor.u32 $0xD0000000, s2;
	s6 =	simm.s32 $0x108;
	_ =	swait.ge @!p0 [sflag:s8], $0x0  }
0x24: {  	s3 =	sadd.s32 $0x88, s3;
	s6 =	simm.s32 @!p1 $0x1082;
	[sflag:s4] =	ssyncset.s32 $0xFFFFF086  }
0x25: {  	[simem:s6], [sflag:s4] =	dma.local [hbm:s3], $0xF7A  }
0x26: {  	[smem:$0x3F9A] =	sst s1;
	(tag) =	ssettag s2;
	_ =	strace s9  }
0x27: {  	s1 =	sld [smem:$0x3FAA]  }
0x28: {  	s2 =	sld [smem:$0x3FAB]  }
0x29: {  	s4 =	sld [smem:$0x3FAD]  }
0x2a: {  	p0 =	seq.s32 s5, $0x0;
	s5 =	sld [smem:$0x3FAE]  }
0x2b: {  	s6 =	sld [smem:$0x3FAF]  }
0x2c: {  	s7 =	sld [smem:$0x3FB0]  }
0x2d: {  	s3 =	simm.s32 $0x108;
	s8 =	sld [smem:$0x3FB1]  }
0x2e: {  	s3 =	simm.s32 @!p0 $0x1082;
	s9 =	sld [smem:$0x3FB2]  }
0x2f: {  	lr =	sadd.s32 s0, s3;
	s0 =	sld [smem:$0x3FA9]  }
0x30: {  	s3 =	sld [smem:$0x3FAC]  }
0x31: {  	[smem:$0x3FB5] =	sst s10  }
0x32: {  	s10 =	sld [smem:$0x3FB3];
	_ =	sdelay $0x3  }
0x33: {  	p0 =	seq.s32 s10, $0x1;
	s10 =	sld [smem:$0x3FB5];
	_ =	sdelay $0x3  }
0x34: {  	[smem:$0x3FB5] =	sst s10  }
0x35: {  	s10 =	sld [smem:$0x3FB4];
	_ =	sdelay $0x3  }
0x36: {  	p1 =	seq.s32 s10, $0x1;
	s10 =	sld [smem:$0x3FB5];
	_ =	sdelay $0x3  }
0x37: {  	[smem:$0x3FB5] =	sst s10  }
0x38: {  	s10 =	sld [smem:$0x3FB6]  }
0x39: {  	_ = 	snop;
	(pc) =	sbr.ind lr, $3  }
0x3a: {  	_ = 	snop  }
0x3b: {  	_ = 	snop  }
0x3c: {  	p2 =	seq.s32 s10, $0x1;
	s10 =	sld [smem:$0x3FB5]  }
0x3d: {  	_ =	shalt  }
0x3e: {  	_ =	shalt  }
0x3f: {  	_ =	shalt  }
0x40: {  	_ =	shalt  }
0x41: {  	_ =	shalt  }
0x42: {  	_ =	shalt  }
0x43: {  	_ =	shalt  }
0x44: {  	_ =	shalt  }
0x45: {  	_ =	shalt  }
0x46: {  	_ =	shalt  }
0x47: {  	_ =	shalt  }
0x48: {  	_ =	shalt  }
0x49: {  	_ =	shalt  }
0x4a: {  	_ =	shalt  }
0x4b: {  	_ =	shalt  }
0x4c: {  	_ =	shalt  }
0x4d: {  	_ =	shalt  }
0x4e: {  	_ =	shalt  }
0x4f: {  	_ =	shalt  }
0x50: {  	_ =	shalt  }
0x51: {  	_ =	shalt  }
0x52: {  	_ =	shalt  }
0x53: {  	_ =	shalt  }
0x54: {  	_ =	shalt  }
0x55: {  	_ =	shalt  }
0x56: {  	_ =	shalt  }
0x57: {  	_ =	shalt  }
0x58: {  	_ =	shalt  }
0x59: {  	_ =	shalt  }
0x5a: {  	_ =	shalt  }
0x5b: {  	_ =	shalt  }
0x5c: {  	_ =	shalt  }
0x5d: {  	_ =	shalt  }
0x5e: {  	_ =	shalt  }
0x5f: {  	_ =	shalt  }
0x60: {  	_ =	shalt  }
0x61: {  	_ =	shalt  }
0x62: {  	_ =	shalt  }
0x63: {  	_ =	shalt  }
0x64: {  	_ =	shalt  }
0x65: {  	_ =	shalt  }
0x66: {  	_ =	shalt  }
0x67: {  	_ =	shalt  }
0x68: {  	_ =	shalt  }
0x69: {  	_ =	shalt  }
0x6a: {  	_ =	shalt  }
0x6b: {  	_ =	shalt  }
0x6c: {  	_ =	shalt  }
0x6d: {  	_ =	shalt  }
0x6e: {  	_ =	shalt  }
0x6f: {  	_ =	shalt  }
0x70: {  	_ =	shalt  }
0x71: {  	_ =	shalt  }
0x72: {  	_ =	shalt  }
0x73: {  	_ =	shalt  }
0x74: {  	_ =	shalt  }
0x75: {  	_ =	shalt  }
0x76: {  	_ =	shalt  }
0x77: {  	_ =	shalt  }
0x78: {  	_ =	shalt  }
0x79: {  	_ =	shalt  }
0x7a: {  	_ =	shalt  }
0x7b: {  	_ =	shalt  }
0x7c: {  	_ =	shalt  }
0x7d: {  	_ =	shalt  }
0x7e: {  	_ =	shalt  }
0x7f: {  	_ =	shalt  }
0x80: {  	_ =	shalt  }
0x81: {  	_ =	shalt  }
0x82: {  	_ =	shalt  }
0x83: {  	_ =	shalt  }
0x84: {  	_ =	shalt  }
0x85: {  	_ =	shalt  }
0x86: {  	_ =	shalt  }
0x87: {  	_ =	shalt  }
.Lfunc_end0:
.L_simem_size_0:
called_computation_lowered:
.L_overlay_start_0:
0x88: {  	s2 =	sld [smem:$0x3FD9]  }
0x89: {  	s3 =	sld [smem:$0x3FFE];
	_ =	sdelay $0x1  }
0x8a: {  	s1 =	srdreg.scid  }
0x8b: {  	s0 =	sand.u32 $0x1, s1  }
0x8c: {  	s14 =	sshll.u32 s0, $0xA;
	s2 =	sadd.s32 s3, s2  }
0x8d: {  	s2 =	sadd.s32 s2, s14  }
0x8e: {  	[smem:$0x3FC1] =	sst s2  }
0x8f: {  	_ = 	snop  }
0x90: {  	s2 =	sld [smem:$0x3FD0];
	_ =	sdelay $0x2  }
0x91: {  	s15 =	simm.s32 $0xA;
	s4 =	simm.s32 $0x10  }
0x92: {  	[smem:s4], [sflag:s15] =	dma.local [hbm:s2], $0x1  }
0x93: {  	_ =	swait.eq [sflag:s15], $0x1  }
0x94: {  	[sflag:s15] =	ssyncset.done $0x0  }
0x95: {  	[sflag:s15] =	ssyncadd.s32 $0xFFFFFFFF  }
0x96: {  	s16 =	sld [smem:$0x11];
	(tm) =	ssettm $0x1  }
0x97: {  	s17 =	sld [smem:$0x3FFB];
	_ =	sdelay $0x3  }
0x98: {  	_ =	strace s17  }
0x99: {  	s3 =	sld [smem:$0x3FFC];
	_ =	sdelay $0x3  }
0x9a: {  	_ =	strace s3  }
0x9b: {  	s3 =	sld [smem:$0x3FFD];
	_ =	sdelay $0x3  }
0x9c: {  	_ =	strace s3  }
0x9d: {  	_ =	strace $0x8FFFFFFF  }
0x9e: {  	s18 =	sld [smem:$0x3FDB];
	_ =	sdelay $0x1  }
0x9f: {  	s19 =	simm.s32 $_scs_section_size  }
0xa0: {  	s5 =	simm.s32 $_size__tile_overlayer_lowered;
	s6 =	simm.s32 $_tile_overlayer_lowered  }
0xa1: {  	s22 =	simm.s32 $0x1BFF;
	s21 =	sshll.u32 s6, $0x1;
	s3 =	sadd.s32 s19, s18  }
0xa2: {  	s7 =	simm.s32 $0x0;
	s20 =	sshll.u32 s5, $0x1;
	s5 =	sadd.s32 s21, s3  }
0xa3: {  	[timem:s7], [sflag:s22] =	dma.local [hbm:s5], s20  }
0xa4: {  	_ =	swait.ge [sflag:s22], s20  }
0xa5: {  	s4 =	ssub.s32 $0x0, s20;
	[sflag:s22] =	ssyncset.done $0x0  }
0xa6: {  	[sflag:s22] =	ssyncadd.s32 s4;
	_ =	sdelay $0x1  }
0xa7: {  	s23 =	simm.s32 $0x1B8B  }
0xa8: {  	_ =	swait.ge [sflag:s23], $0x1  }
0xa9: {  	[sflag:s23] =	ssyncset.done $0x0  }
0xaa: {  	s25 =	simm.s32 $0x1B8E;
	s24 =	sld [smem:$0x3FFE];
	[sflag:s23] =	ssyncadd.s32 $0xFFFFFFFF  }
0xab: {  	s26 =	simm.s32 $execute0_lowered;
	[smem:$0x3FD2] =	sst s25  }
0xac: {  	s5 =	sshll.u32 s26, $0x1;
	_ =	strace $0x80000046;
	[dreg:$0x1] =	wrdreg $0xFFFFFFFF  }
0xad: {  	s28 =	simm.s32 $_size_execute0_lowered;
	s3 =	sadd.s32 s3, s5;
	[dreg:$0x0] =	wrdreg $0x0  }
0xae: {  	s5 =	sshll.u32 s28, $0x1;
	[dreg:$0x2] =	wrdreg s3  }
0xaf: {  	[dreg:$0x3] =	wrdreg s5  }
0xb0: {  	[dreg:$0x4] =	wrdreg $0xC0  }
0xb1: {  	_ =	task [dreg:s7], $0x5FFFF  }
0xb2: {  	[dreg:$0x1] =	wrdreg $0xFFFFFFFF  }
0xb3: {  	[dreg:$0x0] =	wrdreg $0x60  }
0xb4: {  	[dreg:$0x2] =	wrdreg s24  }
0xb5: {  	[dreg:$0x3] =	wrdreg s16  }
0xb6: {  	[dreg:$0x4] =	wrdreg $0x9  }
0xb7: {  	_ =	task.clear_ibuf [dreg:s7], $0x5FFFF;
	_ =	strace $0x90000046  }
0xb8: {  	s29 =	simm.s32 $0x9;
	_ =	strace $0x80000048  }
0xb9: {  	_ =	swait.ge [sflag:s29], $0x1  }
0xba: {  	[sflag:s29] =	ssyncadd.s32 $0xFFFFFFFF  }
0xbb: {  	_ =	strace $0x90000048  }
0xbc: {  	_ =	sfence  }
0xbd: {  	s30 =	sld [smem:$0x0];
	_ =	sdelay $0x2  }
0xbe: {  	s31 =	sshll.u32 s1, $0xD;
	s1 =	sshrl.u32 s1, $0x2  }
0xbf: {  	s3 =	sand.u32 $0x4000, s31;
	s1 =	sadd.s32 s1, s30  }
0xc0: {  	s0 =	sor.u32 s3, s0;
	s1 =	sshll.u32 s1, $0x11  }
0xc1: {  	s0 =	sor.u32 s1, s0  }
0xc2: {  	s0 =	sadd.s32 $0x8F2B, s0  }
0xc3: {  	[sflag:s0] =	ssyncadd.remote.s32 $0x1  }
0xc4: {  	_ =	sfence.sel $0xFFFF  }
0xc5: {  	[dreg:$0x0] =	wrdreg $0xFFFFFFFF;
	(pc) =	sbr.abs _section_cstart, $3  }
0xc6: {  	[dreg:$0x1] =	wrdreg $0xFFFFFFFF  }
0xc7: {  	_ =	task.clear_ibuf [dreg:s7], $0x2FFFF;
	_ =	strace $0x9FFFFFFF  }
0xc8: {  	(tm) =	ssettm $0x7FFFFFFF  }
0xc9: {  	_ =	shalt  }
tec
execute0_lowered:
.L_overlay_start_1:
0x0: {  	(tag) =	ssettag $0x1  }
0x1: {  	s4 =	rddreg [dreg:$0x0]  }
0x2: {  	s6 =	rddreg [dreg:$0x1]  }
0x3: {  	s0 =	rddreg [dreg:$0x2];
	s2 =	simm.s32 $0x0  }
0x4: {  	s3 =	srdreg.scid;
	s1 =	stileid.u32;
	s10 =	simm.s32 $0x4880  }
0x5: {  	s11 =	simm.s32 $0x0;
	s18 =	simm.s32 $0x110;
	[smem:$0x7FF] =	sst s2  }
0x6: {  	s3 =	sand.u32 $0x1, s3;
	s5 =	sshll.u32 s1, $0x1;
	_ =	strace $0x80000047  }
0x7: {  	s7 =	ssub.s32 $0x2, s3;
	s5 =	sor.u32 s3, s5;
	s3 =	sadd.s32 $0xA00, s4  }
0x8: {  	s4 =	sadd.s32 $0x2CA00, s4;
	s8 =	sshrl.u32 s7, $0x1;
	s9 =	smul.u32 $0x5A0, s5  }
0x9: {  	s5 =	smul.u32 $0x50, s5;
	s7 =	ssub.s32 s7, s8;
	s8 =	simm.s32 $0x2  }
0xa: {  	s6 =	sadd.s32 s6, s9;
	s7 =	smax.u32 s7, $0x1;
	s9 =	simm.s32 $0x1  }
.LBB2_1:
0xb: {  	s12 =	simm.s32 $0x0  }
.LBB2_2:
0xc: {  	s13 =	sshll.u32 s12, $0x2  }
0xd: {  	s14 =	sadd.s32 s5, s13  }
0xe: {  	s14 =	sshll.u32 s14, $0x2  }
0xf: {  	s15 =	sadd.s32 s4, s14;
	s14 =	simm.s32 $0x0  }
0x10: {  	[tilespmem:s14], [sflag:$0x2] =	stream.linear.gather [hbm4b:s15+s14], $0x80, $0x38;
	[tilespmem:$0x7580] =	vst v63  }
0x11: {  	_ =	swait.ge [sflag:s8], $0x80  }
0x12: {  	[sflag:s8] =	ssyncset.done $0x0  }
0x13: {  	s15 =	simm.s32 $0x80;
	[sflag:s8] =	ssyncadd.s32 $0xFFFFFF80  }
0x14: {  	[tilespmem:s15], [sflag:$0x1] =	stream.indirect.gather [hbm4b:s3+s15], $0x90, s14, s15, $0xb8;
	[tilespmem:$0x7580] =	vst v63  }
0x15: {  	_ =	swait.ge [sflag:s9], $0x4800  }
0x16: {  	[sflag:s9] =	ssyncset.done $0x0  }
0x17: {  	[sflag:s9] =	ssyncadd.s32 $0xFFFFB800  }
.LBB2_3:
0x18: {  	s16 =	smul.u32 $0x4800, s14;
	_ =	sdelay $0x1  }
0x19: {  	s16 =	sshra.s32 s16, $0x2  }
0x1a: {  	v11 =	vld [tilespmem:s16+$0x80]  }
0x1b: {  	v15 =	vld [tilespmem:s16+$0x90]  }
0x1c: {  	v6 =	vld [tilespmem:s16+$0xA0]  }
0x1d: {  	v5 =	vld [tilespmem:s16+$0xB0]  }
0x1e: {  	v7 =	vmov s15;
	v3 =	vld [tilespmem:s16+$0xC0]  }
0x1f: {  	v2 =	vld [tilespmem:s16+$0xD0]  }
0x20: {  	v1 =	vld [tilespmem:s16+$0xE0]  }
0x21: {  	v0 =	vld [tilespmem:s16+$0xF0]  }
0x22: {  	v4 =	vld [tilespmem:s16+$0x100]  }
0x23: {  	v14 =	vld.idx.msk [tilespmem:v7+s18+$0x0 ss:$0x1], $0xffff  }
0x24: {  	v16 =	vld.idx.msk [tilespmem:v7+s18+$0xFFFFFF80 ss:$0x1], $0xffff  }
0x25: {  	v17 =	vld.idx.msk [tilespmem:v7+s18+$0xFFFFFF90 ss:$0x1], $0xffff  }
0x26: {  	v13 =	vld.idx.msk [tilespmem:v7+s18+$0xFFFFFFA0 ss:$0x1], $0xffff  }
0x27: {  	v12 =	vld.idx.msk [tilespmem:v7+s18+$0xFFFFFFB0 ss:$0x1], $0xffff  }
0x28: {  	v10 =	vld.idx.msk [tilespmem:v7+s18+$0xFFFFFFC0 ss:$0x1], $0xffff  }
0x29: {  	v9 =	vld.idx.msk [tilespmem:v7+s18+$0xFFFFFFD0 ss:$0x1], $0xffff  }
0x2a: {  	v8 =	vld.idx.msk [tilespmem:v7+s18+$0xFFFFFFE0 ss:$0x1], $0xffff  }
0x2b: {  	s17 =	simm.s32 $0x8C0;
	s16 =	simm.s32 $0x1A0;
	v4 =	vmax.f32 v4, v14;
	v14 =	vmax.f32 v11, v16;
	v15 =	vmax.f32 v15, v17;
	v11 =	vld.idx.msk [tilespmem:v7+s18+$0xFFFFFFF0 ss:$0x1], $0xffff  }
.LBB2_4:
0x2c: {  	p0 =	sne.s32 s17, $0x47C0;
	v16 =	vld.idx.msk [tilespmem:v7+s16+$0x0 ss:$0x1], $0xffff;
	v6 =	vmax.f32 v6, v13  }
0x2d: {  	v5 =	vmax.f32 v5, v12;
	v17 =	vld.idx.msk [tilespmem:v7+s16+$0xFFFFFF80 ss:$0x1], $0xffff  }
0x2e: {  	v3 =	vmax.f32 v3, v10;
	v18 =	vld.idx.msk [tilespmem:v7+s16+$0xFFFFFF90 ss:$0x1], $0xffff  }
0x2f: {  	v2 =	vmax.f32 v2, v9;
	v13 =	vld.idx.msk [tilespmem:v7+s16+$0xFFFFFFA0 ss:$0x1], $0xffff  }
.Ltmp0:
0x30: {  	v1 =	vmax.f32 v1, v8;
	v12 =	vld.idx.msk [tilespmem:v7+s16+$0xFFFFFFB0 ss:$0x1], $0xffff;
	(pc) =	sbr.rel @p0 .LBB2_4-.Ltmp0, $4  }
0x31: {  	v0 =	vmax.f32 v0, v11;
	v10 =	vld.idx.msk [tilespmem:v7+s16+$0xFFFFFFC0 ss:$0x1], $0xffff  }
0x32: {  	v4 =	vmax.f32 v4, v16;
	v9 =	vld.idx.msk [tilespmem:v7+s16+$0xFFFFFFD0 ss:$0x1], $0xffff  }
0x33: {  	v14 =	vmax.f32 v14, v17;
	v8 =	vld.idx.msk [tilespmem:v7+s16+$0xFFFFFFE0 ss:$0x1], $0xffff  }
0x34: {  	v15 =	vmax.f32 v15, v18;
	v11 =	vld.idx.msk [tilespmem:v7+s16+$0xFFFFFFF0 ss:$0x1], $0xffff;
	s16 =	sshra.s32 s17, $0x2;
	s17 =	sadd.s32 $0x240, s17  }
0x35: {  	_ =	sdelay $0x3  }
0x36: {  	v16 =	vld.idx.msk [tilespmem:v7+s16+$0x0 ss:$0x1], $0xffff  }
0x37: {  	v17 =	vld.idx.msk [tilespmem:v7+s16+$0xFFFFFF80 ss:$0x1], $0xffff  }
0x38: {  	v18 =	vld.idx.msk [tilespmem:v7+s16+$0xFFFFFF90 ss:$0x1], $0xffff  }
0x39: {  	v19 =	vld.idx.msk [tilespmem:v7+s16+$0xFFFFFFA0 ss:$0x1], $0xffff  }
0x3a: {  	v20 =	vld.idx.msk [tilespmem:v7+s16+$0xFFFFFFB0 ss:$0x1], $0xffff;
	s17 =	sadd.s32 s13, s14  }
0x3b: {  	v21 =	vld.idx.msk [tilespmem:v7+s16+$0xFFFFFFC0 ss:$0x1], $0xffff;
	s17 =	smul.u32 $0x240, s17  }
0x3c: {  	v22 =	vld.idx.msk [tilespmem:v7+s16+$0xFFFFFFD0 ss:$0x1], $0xffff  }
0x3d: {  	v23 =	vld.idx.msk [tilespmem:v7+s16+$0xFFFFFFE0 ss:$0x1], $0xffff;
	s31 =	sshra.s32 s17, $0x2;
	v14 =	vmax.f32 v14, v17  }
0x3e: {  	v61 =	vld.idx.msk [tilespmem:v7+s16+$0xFFFFFFF0 ss:$0x1], $0xffff;
	v6 =	vmax.f32 v6, v13;
	v62 =	vmax.f32 v15, v18;
	[tilespmem:s31+$0x4880] =	vst v14  }
0x3f: {  	v5 =	vmax.f32 v5, v12;
	v6 =	vmax.f32 v6, v19;
	[tilespmem:s31+$0x4890] =	vst v62  }
0x40: {  	s14 =	sadd.s32 $0x1, s14;
	v3 =	vmax.f32 v3, v10;
	v5 =	vmax.f32 v5, v20;
	[tilespmem:s31+$0x48A0] =	vst v6  }
0x41: {  	p0 =	sne.s32 s14, $0x4;
	v2 =	vmax.f32 v2, v9;
	v3 =	vmax.f32 v3, v21;
	[tilespmem:s31+$0x48B0] =	vst v5  }
.Ltmp1:
0x42: {  	v1 =	vmax.f32 v1, v8;
	v2 =	vmax.f32 v2, v22;
	[tilespmem:s31+$0x48C0] =	vst v3;
	(pc) =	sbr.rel @p0 .LBB2_3-.Ltmp1, $4  }
0x43: {  	v0 =	vmax.f32 v0, v11;
	v1 =	vmax.f32 v1, v23;
	[tilespmem:s31+$0x48D0] =	vst v2  }
0x44: {  	v0 =	vmax.f32 v0, v61;
	[tilespmem:s31+$0x48E0] =	vst v1  }
0x45: {  	v63 =	vmax.f32 v4, v16;
	[tilespmem:s31+$0x48F0] =	vst v0  }
0x46: {  	s15 =	sadd.s32 $0x1200, s15;
	[tilespmem:s31+$0x4900] =	vst v63  }
0x47: {  	s12 =	sadd.s32 $0x1, s12  }
0x48: {  	p0 =	sne.s32 s12, $0x14  }
.Ltmp2:
0x49: {  	_ = 	snop;
	(pc) =	sbr.rel @p0 .LBB2_2-.Ltmp2, $1  }
0x4a: {  	_ =	sdelay $0x3  }
0x4b: {  	s11 =	sadd.s32 $0x1, s11  }
0x4c: {  	p0 =	sne.s32 s11, s7  }
.Ltmp3:
0x4d: {  	_ = 	snop;
	(pc) =	sbr.rel @p0 .LBB2_1-.Ltmp3, $4  }
0x4e: {  	[hbm4b:s6+s2] =	stream.linear.scatter [tilespmem:s10], [sflag:$0x2], $0x2D00, $0x38;
	[tilespmem:$0x7580] =	vst v63  }
0x4f: {  	_ =	swait.ge [sflag:s8], $0x2D00  }
0x50: {  	[sflag:s8] =	ssyncset.done $0x0  }
0x51: {  	[sflag:s8] =	ssyncadd.s32 $0xFFFFD300  }
0x52: {  	_ =	sfence.sel $0x180000  }
0x53: {  	[bflag:$0x0] =	sbarrier.arrive $0xFFFF  }
0x54: {  	p0 =	sne.s32 s1, $0x0;
	_ =	strace $0x90000047  }
0x55: {  	s0 =	sadd.s32 @!p0 $0x100000, s0;
	[bflag:$0x2] =	sbarrier.arrive $0xFFFF  }
0x56: {  	[sflag:s0] =	ssyncadd.tile.s32 @!p0 $0x1;
	_ =	shalt  }
.Lfunc_end2:
_tile_overlayer_lowered:
.L_overlay_start_2:
0x57: {  	(tag) =	ssettag $0x2  }
0x58: {  	s0 =	rddreg [dreg:$0x0];
	s2 =	stileid.u32  }
0x59: {  	s1 =	rddreg [dreg:$0x1];
	p0 =	sne.s32 s2, $0x0  }
0x5a: {  	s3 =	rddreg [dreg:$0x2];
	[bflag:$0x3] =	sbarrier.arrive $0xFFFF;
	s2 =	simm.s32 @!p0 $0x1C02  }
0x5b: {  	[timem:s3], [sflag:s2] =	dma.local @!p0 [hbm:s0], s1  }
0x5c: {  	s0 =	simm.s32 @!p0 $0x2  }
0x5d: {  	_ =	swait.ge @!p0 [sflag:s0], s1  }
0x5e: {  	s1 =	ssub.s32 @!p0 $0x0, s1;
	[sflag:s0] =	ssyncset.done @!p0 $0x0  }
0x5f: {  	[sflag:s0] =	ssyncadd.s32 @!p0 s1  }
0x60: {  	[bflag:$0x3] =	sbarrier.arrive $0xFFFF  }
0x61: {  	_ =	shalt  }

</sc_bundles>
